<compile_context>
chip_gen: v7x
topology: tpu7x:2x2x1
jax: 0.10.2.dev20260603
libtpu: 0.0.44.dev20260713+nightly
codegen_flags: <defaults>
</compile_context>

<pallas_src>
import functools

import jax
import jax.numpy as jnp
from jax import lax
from jax.experimental import pallas as pl
from jax.experimental.pallas import tpu as pltpu
from jax.experimental.pallas import tpu_sc as plsc

NC, NS, LANES = 2, 16, 16
NW = NC * NS
EB = 128
F0 = 0.50



def _make_seg_sum(R, D, NB0, NB1_lo, rem1, B0, with_cnt):
  rpt = R // NS
  NB1_hi = NB1_lo + (1 if rem1 else 0)
  NBmax = max(NB0, NB1_hi)

  out_type = [jax.ShapeDtypeStruct((NC, R, D), jnp.float32)]
  scratch = [
      pltpu.VMEM_SHARED((R, D), jnp.float32),
      pltpu.VMEM((NBmax, EB), jnp.int32),
      pltpu.VMEM((NBmax, EB), jnp.int32),
      pltpu.VMEM((EB, D), jnp.float32),
      pltpu.VMEM((EB, D), jnp.float32),
      pltpu.SemaphoreType.DMA,
      pltpu.SemaphoreType.DMA,
      pltpu.SemaphoreType.DMA,
      pltpu.SemaphoreType.DMA,
  ]
  if with_cnt:
    out_type.append(jax.ShapeDtypeStruct((NC, R, LANES), jnp.float32))
    scratch += [
        pltpu.VMEM_SHARED((R, LANES), jnp.float32),
        pltpu.VMEM((EB, LANES), jnp.float32),
        pltpu.SemaphoreType.DMA,
    ]

  mesh = plsc.VectorSubcoreMesh(core_axis_name="c", subcore_axis_name="s")

  @functools.partial(pl.kernel, out_type=tuple(out_type), mesh=mesh,
                     scratch_types=tuple(scratch),
                     compiler_params=pltpu.CompilerParams(
                         use_tc_tiling_on_sc=False))
  def seg(*refs):
    if with_cnt:
      (y_hbm, ei_hbm, zD_hbm, zc_hbm, ones_hbm,
       outS, outC, acc, src_v, dst_v, gb0, gb1, gs0, gs1, ss0, ss1,
       cnt_acc, ones_v, osem) = refs
    else:
      (y_hbm, ei_hbm, zD_hbm,
       outS, acc, src_v, dst_v, gb0, gb1, gs0, gs1, ss0, ss1) = refs
    gbuf = (gb0, gb1)
    gsem = (gs0, gs1)
    ssem = (ss0, ss1)

    c = lax.axis_index("c")
    s = lax.axis_index("s")
    r0 = s * rpt
    start = jnp.where(c == 0, s * NB0,
                      B0 + s * NB1_lo + jnp.minimum(s, rem1))
    nb = jnp.where(c == 0, NB0, NB1_lo + (s < rem1))

    pltpu.sync_copy(zD_hbm.at[pl.ds(r0, rpt)], acc.at[pl.ds(r0, rpt)])
    if with_cnt:
      pltpu.sync_copy(zc_hbm.at[pl.ds(r0, rpt)], cnt_acc.at[pl.ds(r0, rpt)])
      pltpu.sync_copy(ones_hbm, ones_v)
    @pl.when(c == 0)
    def _():
      pltpu.sync_copy(ei_hbm.at[0, pl.ds(start, NB0)], src_v.at[pl.ds(0, NB0)])
      pltpu.sync_copy(ei_hbm.at[1, pl.ds(start, NB0)], dst_v.at[pl.ds(0, NB0)])
    @pl.when(c != 0)
    def _():
      pltpu.sync_copy(ei_hbm.at[0, pl.ds(start, NB1_lo)],
                      src_v.at[pl.ds(0, NB1_lo)])
      pltpu.sync_copy(ei_hbm.at[1, pl.ds(start, NB1_lo)],
                      dst_v.at[pl.ds(0, NB1_lo)])
    if rem1:
      @pl.when(jnp.logical_and(c != 0, s < rem1))
      def _():
        pltpu.sync_copy(ei_hbm.at[0, pl.ds(start + NB1_lo, 1)],
                        src_v.at[pl.ds(NB1_lo, 1)])
        pltpu.sync_copy(ei_hbm.at[1, pl.ds(start + NB1_lo, 1)],
                        dst_v.at[pl.ds(NB1_lo, 1)])
    plsc.subcore_barrier()

    def start_gather(j, b):
      pltpu.async_copy(y_hbm.at[src_v.at[j]], gbuf[b], gsem[b])

    def wait_gather(j, b):
      pltpu.make_async_copy(y_hbm.at[src_v.at[j]], gbuf[b], gsem[b]).wait()

    def scatter(j, b):
      if with_cnt:
        pltpu.async_copy(ones_v, cnt_acc.at[dst_v.at[j]], osem, add=True)
      pltpu.async_copy(gbuf[b], acc.at[dst_v.at[j]], ssem[b], add=True)

    def wait_scatter(j, b):
      pltpu.make_async_copy(gbuf[b], acc.at[dst_v.at[j]], ssem[b]).wait()
      if with_cnt:
        pltpu.make_async_copy(ones_v, cnt_acc.at[dst_v.at[j]], osem).wait()

    npairs = nb // 2

    @pl.when(npairs > 0)
    def _():
      start_gather(0, 0)

    def pair(t, carry):
      j0 = 2 * t
      start_gather(j0 + 1, 1)
      wait_gather(j0, 0)
      scatter(j0, 0)
      wait_scatter(j0, 0)
      @pl.when(t + 1 < npairs)
      def _():
        start_gather(j0 + 2, 0)
      wait_gather(j0 + 1, 1)
      scatter(j0 + 1, 1)
      wait_scatter(j0 + 1, 1)
      return carry
    lax.fori_loop(0, npairs, pair, 0)

    @pl.when(nb % 2 == 1)
    def _():
      j = nb - 1
      start_gather(j, 0)
      wait_gather(j, 0)
      scatter(j, 0)
      wait_scatter(j, 0)

    plsc.subcore_barrier()
    pltpu.sync_copy(acc.at[pl.ds(r0, rpt)], outS.at[c, pl.ds(r0, rpt)])
    if with_cnt:
      pltpu.sync_copy(cnt_acc.at[pl.ds(r0, rpt)], outC.at[c, pl.ds(r0, rpt)])

  return seg



def _stage_a_body(x_ref, w_ref, y1_ref, r1_ref):
  m = jnp.dot(x_ref[...], w_ref[...], preferred_element_type=jnp.float32)
  h = w_ref.shape[1] // 2
  y1_ref[...] = m[:, :h]
  r1_ref[...] = m[:, h:]


def _stage_b_body(s1p_ref, cntp_ref, r1_ref, b1_ref, w2_ref, y2_ref, r2_ref):
  cnt = cntp_ref[0, :, 0:1] + cntp_ref[1, :, 0:1]
  inv = 1.0 / jnp.maximum(cnt, 1.0)
  s1 = s1p_ref[0] + s1p_ref[1]
  h = jnp.maximum(s1 * inv + r1_ref[...] + b1_ref[...], 0.0)
  ycat2 = jnp.dot(h, w2_ref[...], preferred_element_type=jnp.float32)
  l_w = w2_ref.shape[1] // 2
  y2_ref[...] = ycat2[:, :l_w]
  r2_ref[...] = ycat2[:, l_w:]


def _stage_c_body(s2p_ref, cntp_ref, r2_ref, b2_ref, fc1w_ref, fc1b_ref,
                  fc2w_ref, fc2b_ref, o_ref):
  cnt = cntp_ref[0, :, 0:1] + cntp_ref[1, :, 0:1]
  inv = 1.0 / jnp.maximum(cnt, 1.0)
  z = (s2p_ref[0] + s2p_ref[1]) * inv + r2_ref[...] + b2_ref[...]
  d = jnp.maximum(
      jnp.dot(z, fc1w_ref[...], preferred_element_type=jnp.float32)
      + fc1b_ref[...], 0.0)
  o_ref[...] = (jnp.dot(d, fc2w_ref[...], preferred_element_type=jnp.float32)
                + fc2b_ref[...])


def _row_spec(bm, width):
  return pl.BlockSpec((bm, width), lambda i: (i, 0))


def _full_spec(shape):
  nd = len(shape)
  return pl.BlockSpec(shape, lambda i: (0,) * nd)


def _part_spec(bm, width):
  return pl.BlockSpec((NC, bm, width), lambda i: (0, i, 0))



def kernel(x, edge_index, conv1_weight, conv1_root, conv1_bias,
           conv2_weight, conv2_root, conv2_bias, fc1_w, fc1_b, fc2_w, fc2_b):
  N, IN = x.shape
  E = edge_index.shape[1]
  H = conv1_root.shape[1]
  L = conv2_root.shape[1]

  R = ((N + NS - 1) // NS + 7) // 8 * 8 * NS
  TB = -(-E // EB)
  B0 = min(max(NS * round(TB * F0 / NS), NS), TB - NS)
  NB0 = B0 // NS
  B1 = TB - B0
  NB1_lo, rem1 = divmod(B1, NS)

  if E == TB * EB:
    ei3 = edge_index.reshape(2, TB, EB)
  else:
    pad = jnp.full((2, TB * EB - E), N, jnp.int32)
    ei3 = jnp.concatenate([edge_index, pad], axis=1).reshape(2, TB, EB)
  w1cat = jnp.concatenate([conv1_weight[0], conv1_root], axis=1)
  w2cat = jnp.concatenate([conv2_weight[0], conv2_root], axis=1)
  zH = jnp.zeros((R, H), jnp.float32)
  zL = jnp.zeros((R, L), jnp.float32)
  zc = jnp.zeros((R, LANES), jnp.float32)
  ones_rows = jnp.ones((EB, LANES), jnp.float32)

  bm = R // 4
  grid = (R // bm,)

  y1, r1 = pl.pallas_call(
      _stage_a_body, grid=grid,
      in_specs=[_row_spec(bm, IN), _full_spec((IN, 2 * H))],
      out_specs=[_row_spec(bm, H), _row_spec(bm, H)],
      out_shape=[jax.ShapeDtypeStruct((R, H), jnp.float32),
                 jax.ShapeDtypeStruct((R, H), jnp.float32)],
  )(x, w1cat)

  seg1 = _make_seg_sum(R, H, NB0, NB1_lo, rem1, B0, with_cnt=True)
  s1p, cntp = seg1(y1, ei3, zH, zc, ones_rows)

  y2, r2 = pl.pallas_call(
      _stage_b_body, grid=grid,
      in_specs=[_part_spec(bm, H), _part_spec(bm, LANES), _row_spec(bm, H),
                _full_spec((1, H)), _full_spec((H, 2 * L))],
      out_specs=[_row_spec(bm, L), _row_spec(bm, L)],
      out_shape=[jax.ShapeDtypeStruct((R, L), jnp.float32),
                 jax.ShapeDtypeStruct((R, L), jnp.float32)],
  )(s1p, cntp, r1, conv1_bias.reshape(1, H), w2cat)

  seg2 = _make_seg_sum(R, L, NB0, NB1_lo, rem1, B0, with_cnt=False)
  (s2p,) = seg2(y2, ei3, zL)

  bm_c = 2048
  out = pl.pallas_call(
      _stage_c_body, grid=(-(-N // bm_c),),
      in_specs=[_part_spec(bm_c, L), _part_spec(bm_c, LANES),
                _row_spec(bm_c, L),
                _full_spec((1, L)), _full_spec((L, H)), _full_spec((1, H)),
                _full_spec((H, IN)), _full_spec((1, IN))],
      out_specs=_row_spec(bm_c, IN),
      out_shape=jax.ShapeDtypeStruct((N, IN), jnp.float32),
  )(s2p, cntp, r2, conv2_bias.reshape(1, L), fc1_w, fc1_b.reshape(1, H),
    fc2_w, fc2_b.reshape(1, IN))

  return out

# --- scband reference (transcript-rebuilt; emitter-appended) ---
"""Pipeline reference for scband-graph-ae-5626407158312 (READ-ONLY COPY).

The authoritative reference and input builder live on the scoring server;
editing this copy changes nothing except your own understanding.
"""

import jax, jax.numpy as jnp
import numpy as np

KS = 2
DIM = 3
K_TOTAL = KS ** DIM
_BITS = np.array(list(np.ndindex(*((2,) * DIM))), dtype=np.int32)  # [(degree+1)^dim, dim] = [8, 3]
_RADIX = (KS ** np.arange(DIM)).astype(np.int32)


def spline_conv(x, edge_index, weight, root, bias):
    # Faithful degree-1 open B-spline conv (torch_geometric SplineConv defaults:
    # degree=1, is_open_spline=True, aggr='mean', root_weight=True, bias=True).
    E = edge_index.shape[1]
    N = x.shape[0]
    src = edge_index[0]
    dst = edge_index[1]
    x_j = x[src]  # gather source node features per edge
    pseudo = jnp.zeros((E, DIM), dtype=x.dtype)  # GraphAE passes zero pseudo-coords
    p = pseudo * (KS - 1)  # open spline scaling
    lo = jnp.floor(p)
    frac = p - lo
    lo = lo.astype(jnp.int32)
    bits = jnp.asarray(_BITS)  # [8, 3]
    frac_e = frac[:, None, :]  # [E, 1, 3]
    basis = jnp.prod(jnp.where(bits[None, :, :] == 1, frac_e, 1.0 - frac_e), axis=-1)  # [E, 8]
    idx = jnp.clip(lo[:, None, :] + bits[None, :, :], 0, KS - 1)  # [E, 8, 3]
    wi = jnp.sum(idx * jnp.asarray(_RADIX)[None, None, :], axis=-1)  # [E, 8] kernel-slot index
    out_dim = weight.shape[-1]
    msg = jnp.zeros((E, out_dim), dtype=x.dtype)
    for k in range(K_TOTAL):
        coef = jnp.sum(basis * (wi == k).astype(x.dtype), axis=1)  # [E]
        msg = msg + coef[:, None] * (x_j @ weight[k])
    agg = jax.ops.segment_sum(msg, dst, num_segments=N)
    cnt = jax.ops.segment_sum(jnp.ones((E,), dtype=x.dtype), dst, num_segments=N)
    agg = agg / jnp.clip(cnt, 1.0)[:, None]  # aggr='mean'
    return agg + x @ root + bias


def setup_inputs(seed: int = 0):
    key = jax.random.key(seed)
    ks = jax.random.split(key, 12)
    N, E = 10000, 320000
    IN, H, L = 128, 64, 32
    x = jax.random.normal(ks[0], (N, IN), dtype=jnp.float32)
    edge_index = jax.random.randint(ks[1], (2, E), 0, N, dtype=jnp.int32)
    return {
        'x': x,
        'edge_index': edge_index,
        'conv1_weight': 0.1 * jax.random.normal(ks[2], (K_TOTAL, IN, H), dtype=jnp.float32),
        'conv1_root': 0.1 * jax.random.normal(ks[3], (IN, H), dtype=jnp.float32),
        'conv1_bias': 0.01 * jax.random.normal(ks[4], (H,), dtype=jnp.float32),
        'conv2_weight': 0.1 * jax.random.normal(ks[5], (K_TOTAL, H, L), dtype=jnp.float32),
        'conv2_root': 0.1 * jax.random.normal(ks[6], (H, L), dtype=jnp.float32),
        'conv2_bias': 0.01 * jax.random.normal(ks[7], (L,), dtype=jnp.float32),
        'fc1_w': 0.1 * jax.random.normal(ks[8], (L, H), dtype=jnp.float32),
        'fc1_b': 0.01 * jax.random.normal(ks[9], (H,), dtype=jnp.float32),
        'fc2_w': 0.1 * jax.random.normal(ks[10], (H, IN), dtype=jnp.float32),
        'fc2_b': 0.01 * jax.random.normal(ks[11], (IN,), dtype=jnp.float32),
    }


def reference(x, edge_index, conv1_weight, conv1_root, conv1_bias, conv2_weight, conv2_root, conv2_bias, fc1_w, fc1_b, fc2_w, fc2_b):
    # encode
    h = jax.nn.relu(spline_conv(x, edge_index, conv1_weight, conv1_root, conv1_bias))
    z = spline_conv(h, edge_index, conv2_weight, conv2_root, conv2_bias)
    # decode
    d = jax.nn.relu(z @ fc1_w + fc1_b)
    return d @ fc2_w + fc2_b

if __name__ == "__main__":
    import jax
    _d = setup_inputs()
    print(jax.jit(kernel)(*tuple(_d.values())))

</pallas_src>

<mosaic_0001>
#map = affine_map<(d0, d1) -> (0, 0)>
#map1 = affine_map<(d0, d1) -> (0, 0, 0)>
module attributes {stable_mosaic.version = 14 : i64} {
  func.func @seg(%arg0: i32, %arg1: i32, %arg2: memref<10112x64xf32, #tpu.memory_space<hbm>>, %arg3: memref<2x2500x128xi32, #tpu.memory_space<hbm>>, %arg4: memref<10112x64xf32, #tpu.memory_space<hbm>>, %arg5: memref<10112x16xf32, #tpu.memory_space<hbm>>, %arg6: memref<128x16xf32, #tpu.memory_space<hbm>>, %arg7: memref<2x10112x64xf32, #tpu.memory_space<hbm>>, %arg8: memref<2x10112x16xf32, #tpu.memory_space<hbm>>, %arg9: memref<10112x64xf32, #tpu.memory_space<vmem_shared>>, %arg10: memref<79x128xi32, #tpu.memory_space<vmem>>, %arg11: memref<79x128xi32, #tpu.memory_space<vmem>>, %arg12: memref<128x64xf32, #tpu.memory_space<vmem>>, %arg13: memref<128x64xf32, #tpu.memory_space<vmem>>, %arg14: memref<!tpu.dma_semaphore, #tpu.memory_space<semaphore_mem>>, %arg15: memref<!tpu.dma_semaphore, #tpu.memory_space<semaphore_mem>>, %arg16: memref<!tpu.dma_semaphore, #tpu.memory_space<semaphore_mem>>, %arg17: memref<!tpu.dma_semaphore, #tpu.memory_space<semaphore_mem>>, %arg18: memref<10112x16xf32, #tpu.memory_space<vmem_shared>>, %arg19: memref<128x16xf32, #tpu.memory_space<vmem>>, %arg20: memref<!tpu.dma_semaphore, #tpu.memory_space<semaphore_mem>>) attributes {dimension_semantics = [#tpu.dimension_semantics<core_parallel>, #tpu.dimension_semantics<subcore_parallel>], iteration_bounds = array<i64: 2, 16>, scalar_prefetch = 0 : i64, scratch_operands = 12 : i64, tpu.core_type = #tpu.core_type<sc_vector_subcore>, window_params = [{transform_indices = #map}, {transform_indices = #map1}, {transform_indices = #map}, {transform_indices = #map}, {transform_indices = #map}, {transform_indices = #map1}, {transform_indices = #map1}]} {
    %mul3A = arith.constant 632 : i32
    %mul3A_0 = arith.muli %arg1, %mul3A : i32
    %eq3A = arith.constant 0 : i32
    %eq3A_1 = arith.cmpi eq, %arg0, %eq3A : i32
    %mul3A_2 = arith.constant 78 : i32
    %mul3A_3 = arith.muli %arg1, %mul3A_2 : i32
    %mul3A_4 = arith.constant 78 : i32
    %mul3A_5 = arith.muli %arg1, %mul3A_4 : i32
    %add3A = arith.constant 1248 : i32
    %add3A_6 = arith.addi %add3A, %mul3A_5 : i32
    %min3A = arith.constant 4 : i32
    %min3A_7 = arith.minsi %arg1, %min3A : i32
    %add3A_8 = arith.addi %add3A_6, %min3A_7 : i32
    %select_n3A = arith.select %eq3A_1, %mul3A_3, %add3A_8 : i32
    %eq3A_9 = arith.constant 0 : i32
    %eq3A_10 = arith.cmpi eq, %arg0, %eq3A_9 : i32
    %lt3A = arith.constant 4 : i32
    %lt3A_11 = arith.cmpi slt, %arg1, %lt3A : i32
    %convert_element_type3A = arith.extui %lt3A_11 : i1 to i32
    %add3A_12 = arith.constant 78 : i32
    %add3A_13 = arith.addi %add3A_12, %convert_element_type3A : i32
    %jit3A = arith.constant 78 : i32
    %select_n3A_14 = arith.select %eq3A_10, %jit3A, %add3A_13 : i32
    "tpu.region"() ({
      %run_scoped3A = tpu.sem_alloc : memref<!tpu.dma_semaphore, #tpu.memory_space<semaphore_mem>>
      %dma_start3A = arith.constant 0 : i32
      %dma_start3A_85 = tpu.memref_slice %arg9[%mul3A_0, %dma_start3A] : memref<10112x64xf32, #tpu.memory_space<vmem_shared>> -> memref<632x64xf32, #tpu.memory_space<vmem_shared>>
      %dma_start3A_86 = arith.constant 0 : i32
      %dma_start3A_87 = tpu.memref_slice %arg4[%mul3A_0, %dma_start3A_86] : memref<10112x64xf32, #tpu.memory_space<hbm>> -> memref<632x64xf32, #tpu.memory_space<hbm>>
      tpu.enqueue_dma source(%dma_start3A_87 : memref<632x64xf32, #tpu.memory_space<hbm>>) target(%dma_start3A_85 : memref<632x64xf32, #tpu.memory_space<vmem_shared>>) target_semaphore(%run_scoped3A : memref<!tpu.dma_semaphore, #tpu.memory_space<semaphore_mem>>)
      %dma_wait3A = arith.constant 0 : i32
      %dma_wait3A_88 = tpu.memref_slice %arg9[%mul3A_0, %dma_wait3A] : memref<10112x64xf32, #tpu.memory_space<vmem_shared>> -> memref<632x64xf32, #tpu.memory_space<vmem_shared>>
      %dma_wait3A_89 = arith.constant 0 : i32
      %dma_wait3A_90 = tpu.memref_slice %arg4[%mul3A_0, %dma_wait3A_89] : memref<10112x64xf32, #tpu.memory_space<hbm>> -> memref<632x64xf32, #tpu.memory_space<hbm>>
      tpu.wait_dma2 semaphore(%run_scoped3A : memref<!tpu.dma_semaphore, #tpu.memory_space<semaphore_mem>>) src(%dma_wait3A_90 : memref<632x64xf32, #tpu.memory_space<hbm>>) dst(%dma_wait3A_88 : memref<632x64xf32, #tpu.memory_space<vmem_shared>>)
      tpu.yield
    }) : () -> ()
    "tpu.region"() ({
      %run_scoped3A = tpu.sem_alloc : memref<!tpu.dma_semaphore, #tpu.memory_space<semaphore_mem>>
      %dma_start3A = arith.constant 0 : i32
      %dma_start3A_85 = tpu.memref_slice %arg18[%mul3A_0, %dma_start3A] : memref<10112x16xf32, #tpu.memory_space<vmem_shared>> -> memref<632x16xf32, #tpu.memory_space<vmem_shared>>
      %dma_start3A_86 = arith.constant 0 : i32
      %dma_start3A_87 = tpu.memref_slice %arg5[%mul3A_0, %dma_start3A_86] : memref<10112x16xf32, #tpu.memory_space<hbm>> -> memref<632x16xf32, #tpu.memory_space<hbm>>
      tpu.enqueue_dma source(%dma_start3A_87 : memref<632x16xf32, #tpu.memory_space<hbm>>) target(%dma_start3A_85 : memref<632x16xf32, #tpu.memory_space<vmem_shared>>) target_semaphore(%run_scoped3A : memref<!tpu.dma_semaphore, #tpu.memory_space<semaphore_mem>>)
      %dma_wait3A = arith.constant 0 : i32
      %dma_wait3A_88 = tpu.memref_slice %arg18[%mul3A_0, %dma_wait3A] : memref<10112x16xf32, #tpu.memory_space<vmem_shared>> -> memref<632x16xf32, #tpu.memory_space<vmem_shared>>
      %dma_wait3A_89 = arith.constant 0 : i32
      %dma_wait3A_90 = tpu.memref_slice %arg5[%mul3A_0, %dma_wait3A_89] : memref<10112x16xf32, #tpu.memory_space<hbm>> -> memref<632x16xf32, #tpu.memory_space<hbm>>
      tpu.wait_dma2 semaphore(%run_scoped3A : memref<!tpu.dma_semaphore, #tpu.memory_space<semaphore_mem>>) src(%dma_wait3A_90 : memref<632x16xf32, #tpu.memory_space<hbm>>) dst(%dma_wait3A_88 : memref<632x16xf32, #tpu.memory_space<vmem_shared>>)
      tpu.yield
    }) : () -> ()
    "tpu.region"() ({
      %run_scoped3A = tpu.sem_alloc : memref<!tpu.dma_semaphore, #tpu.memory_space<semaphore_mem>>
      tpu.enqueue_dma source(%arg6 : memref<128x16xf32, #tpu.memory_space<hbm>>) target(%arg19 : memref<128x16xf32, #tpu.memory_space<vmem>>) target_semaphore(%run_scoped3A : memref<!tpu.dma_semaphore, #tpu.memory_space<semaphore_mem>>)
      tpu.wait_dma2 semaphore(%run_scoped3A : memref<!tpu.dma_semaphore, #tpu.memory_space<semaphore_mem>>) src(%arg6 : memref<128x16xf32, #tpu.memory_space<hbm>>) dst(%arg19 : memref<128x16xf32, #tpu.memory_space<vmem>>)
      tpu.yield
    }) : () -> ()
    %eq3A_15 = arith.constant 0 : i32
    %eq3A_16 = arith.cmpi eq, %arg0, %eq3A_15 : i32
    %convert_element_type3A_17 = arith.extui %eq3A_16 : i1 to i32
    %cond3A = arith.constant 0 : i32
    %cond3A_18 = arith.cmpi ne, %convert_element_type3A_17, %cond3A : i32
    scf.if %cond3A_18 {
      %run_scoped3A = arith.constant 0 : i32
      "tpu.region"() ({
        %run_scoped3A_86 = tpu.sem_alloc : memref<!tpu.dma_semaphore, #tpu.memory_space<semaphore_mem>>
        %dma_start3A = arith.constant 0 : i32
        %dma_start3A_87 = arith.constant 0 : i32
        %dma_start3A_88 = tpu.memref_slice %arg10[%dma_start3A, %dma_start3A_87] : memref<79x128xi32, #tpu.memory_space<vmem>> -> memref<78x128xi32, #tpu.memory_space<vmem>>
        %dma_start3A_89 = arith.constant 0 : i32
        %dma_start3A_90 = tpu.memref_slice %arg3[%run_scoped3A, %select_n3A, %dma_start3A_89] : memref<2x2500x128xi32, #tpu.memory_space<hbm>> -> memref<1x78x128xi32, #tpu.memory_space<hbm>>
        %dma_start3A_91 = tpu.memref_squeeze %dma_start3A_90 : memref<1x78x128xi32, #tpu.memory_space<hbm>> -> memref<78x128xi32, #tpu.memory_space<hbm>>
        %dma_start3A_92 = arith.constant 0 : i32
        %dma_start3A_93 = arith.constant 0 : i32
        %dma_start3A_94 = tpu.memref_slice %arg10[%dma_start3A_92, %dma_start3A_93] : memref<79x128xi32, #tpu.memory_space<vmem>> -> memref<78x128xi32, #tpu.memory_space<vmem>>
        %dma_start3A_95 = arith.constant 0 : i32
        %dma_start3A_96 = tpu.memref_slice %arg3[%run_scoped3A, %select_n3A, %dma_start3A_95] : memref<2x2500x128xi32, #tpu.memory_space<hbm>> -> memref<1x78x128xi32, #tpu.memory_space<hbm>>
        %dma_start3A_97 = tpu.memref_squeeze %dma_start3A_96 : memref<1x78x128xi32, #tpu.memory_space<hbm>> -> memref<78x128xi32, #tpu.memory_space<hbm>>
        tpu.enqueue_dma source(%dma_start3A_97 : memref<78x128xi32, #tpu.memory_space<hbm>>) target(%dma_start3A_94 : memref<78x128xi32, #tpu.memory_space<vmem>>) target_semaphore(%run_scoped3A_86 : memref<!tpu.dma_semaphore, #tpu.memory_space<semaphore_mem>>)
        %dma_wait3A = arith.constant 0 : i32
        %dma_wait3A_98 = arith.constant 0 : i32
        %dma_wait3A_99 = tpu.memref_slice %arg10[%dma_wait3A, %dma_wait3A_98] : memref<79x128xi32, #tpu.memory_space<vmem>> -> memref<78x128xi32, #tpu.memory_space<vmem>>
        %dma_wait3A_100 = arith.constant 0 : i32
        %dma_wait3A_101 = tpu.memref_slice %arg3[%run_scoped3A, %select_n3A, %dma_wait3A_100] : memref<2x2500x128xi32, #tpu.memory_space<hbm>> -> memref<1x78x128xi32, #tpu.memory_space<hbm>>
        %dma_wait3A_102 = tpu.memref_squeeze %dma_wait3A_101 : memref<1x78x128xi32, #tpu.memory_space<hbm>> -> memref<78x128xi32, #tpu.memory_space<hbm>>
        %dma_wait3A_103 = arith.constant 0 : i32
        %dma_wait3A_104 = arith.constant 0 : i32
        %dma_wait3A_105 = tpu.memref_slice %arg10[%dma_wait3A_103, %dma_wait3A_104] : memref<79x128xi32, #tpu.memory_space<vmem>> -> memref<78x128xi32, #tpu.memory_space<vmem>>
        %dma_wait3A_106 = arith.constant 0 : i32
        %dma_wait3A_107 = tpu.memref_slice %arg3[%run_scoped3A, %select_n3A, %dma_wait3A_106] : memref<2x2500x128xi32, #tpu.memory_space<hbm>> -> memref<1x78x128xi32, #tpu.memory_space<hbm>>
        %dma_wait3A_108 = tpu.memref_squeeze %dma_wait3A_107 : memref<1x78x128xi32, #tpu.memory_space<hbm>> -> memref<78x128xi32, #tpu.memory_space<hbm>>
        tpu.wait_dma2 semaphore(%run_scoped3A_86 : memref<!tpu.dma_semaphore, #tpu.memory_space<semaphore_mem>>) src(%dma_wait3A_108 : memref<78x128xi32, #tpu.memory_space<hbm>>) dst(%dma_wait3A_105 : memref<78x128xi32, #tpu.memory_space<vmem>>)
        tpu.yield
      }) : () -> ()
      %run_scoped3A_85 = arith.constant 1 : i32
      "tpu.region"() ({
        %run_scoped3A_86 = tpu.sem_alloc : memref<!tpu.dma_semaphore, #tpu.memory_space<semaphore_mem>>
        %dma_start3A = arith.constant 0 : i32
        %dma_start3A_87 = arith.constant 0 : i32
        %dma_start3A_88 = tpu.memref_slice %arg11[%dma_start3A, %dma_start3A_87] : memref<79x128xi32, #tpu.memory_space<vmem>> -> memref<78x128xi32, #tpu.memory_space<vmem>>
        %dma_start3A_89 = arith.constant 0 : i32
        %dma_start3A_90 = tpu.memref_slice %arg3[%run_scoped3A_85, %select_n3A, %dma_start3A_89] : memref<2x2500x128xi32, #tpu.memory_space<hbm>> -> memref<1x78x128xi32, #tpu.memory_space<hbm>>
        %dma_start3A_91 = tpu.memref_squeeze %dma_start3A_90 : memref<1x78x128xi32, #tpu.memory_space<hbm>> -> memref<78x128xi32, #tpu.memory_space<hbm>>
        %dma_start3A_92 = arith.constant 0 : i32
        %dma_start3A_93 = arith.constant 0 : i32
        %dma_start3A_94 = tpu.memref_slice %arg11[%dma_start3A_92, %dma_start3A_93] : memref<79x128xi32, #tpu.memory_space<vmem>> -> memref<78x128xi32, #tpu.memory_space<vmem>>
        %dma_start3A_95 = arith.constant 0 : i32
        %dma_start3A_96 = tpu.memref_slice %arg3[%run_scoped3A_85, %select_n3A, %dma_start3A_95] : memref<2x2500x128xi32, #tpu.memory_space<hbm>> -> memref<1x78x128xi32, #tpu.memory_space<hbm>>
        %dma_start3A_97 = tpu.memref_squeeze %dma_start3A_96 : memref<1x78x128xi32, #tpu.memory_space<hbm>> -> memref<78x128xi32, #tpu.memory_space<hbm>>
        tpu.enqueue_dma source(%dma_start3A_97 : memref<78x128xi32, #tpu.memory_space<hbm>>) target(%dma_start3A_94 : memref<78x128xi32, #tpu.memory_space<vmem>>) target_semaphore(%run_scoped3A_86 : memref<!tpu.dma_semaphore, #tpu.memory_space<semaphore_mem>>)
        %dma_wait3A = arith.constant 0 : i32
        %dma_wait3A_98 = arith.constant 0 : i32
        %dma_wait3A_99 = tpu.memref_slice %arg11[%dma_wait3A, %dma_wait3A_98] : memref<79x128xi32, #tpu.memory_space<vmem>> -> memref<78x128xi32, #tpu.memory_space<vmem>>
        %dma_wait3A_100 = arith.constant 0 : i32
        %dma_wait3A_101 = tpu.memref_slice %arg3[%run_scoped3A_85, %select_n3A, %dma_wait3A_100] : memref<2x2500x128xi32, #tpu.memory_space<hbm>> -> memref<1x78x128xi32, #tpu.memory_space<hbm>>
        %dma_wait3A_102 = tpu.memref_squeeze %dma_wait3A_101 : memref<1x78x128xi32, #tpu.memory_space<hbm>> -> memref<78x128xi32, #tpu.memory_space<hbm>>
        %dma_wait3A_103 = arith.constant 0 : i32
        %dma_wait3A_104 = arith.constant 0 : i32
        %dma_wait3A_105 = tpu.memref_slice %arg11[%dma_wait3A_103, %dma_wait3A_104] : memref<79x128xi32, #tpu.memory_space<vmem>> -> memref<78x128xi32, #tpu.memory_space<vmem>>
        %dma_wait3A_106 = arith.constant 0 : i32
        %dma_wait3A_107 = tpu.memref_slice %arg3[%run_scoped3A_85, %select_n3A, %dma_wait3A_106] : memref<2x2500x128xi32, #tpu.memory_space<hbm>> -> memref<1x78x128xi32, #tpu.memory_space<hbm>>
        %dma_wait3A_108 = tpu.memref_squeeze %dma_wait3A_107 : memref<1x78x128xi32, #tpu.memory_space<hbm>> -> memref<78x128xi32, #tpu.memory_space<hbm>>
        tpu.wait_dma2 semaphore(%run_scoped3A_86 : memref<!tpu.dma_semaphore, #tpu.memory_space<semaphore_mem>>) src(%dma_wait3A_108 : memref<78x128xi32, #tpu.memory_space<hbm>>) dst(%dma_wait3A_105 : memref<78x128xi32, #tpu.memory_space<vmem>>)
        tpu.yield
      }) : () -> ()
    } else {
    }
    %ne3A = arith.constant 0 : i32
    %ne3A_19 = arith.cmpi ne, %arg0, %ne3A : i32
    %convert_element_type3A_20 = arith.extui %ne3A_19 : i1 to i32
    %cond3A_21 = arith.constant 0 : i32
    %cond3A_22 = arith.cmpi ne, %convert_element_type3A_20, %cond3A_21 : i32
    scf.if %cond3A_22 {
      %run_scoped3A = arith.constant 0 : i32
      "tpu.region"() ({
        %run_scoped3A_86 = tpu.sem_alloc : memref<!tpu.dma_semaphore, #tpu.memory_space<semaphore_mem>>
        %dma_start3A = arith.constant 0 : i32
        %dma_start3A_87 = arith.constant 0 : i32
        %dma_start3A_88 = tpu.memref_slice %arg10[%dma_start3A, %dma_start3A_87] : memref<79x128xi32, #tpu.memory_space<vmem>> -> memref<78x128xi32, #tpu.memory_space<vmem>>
        %dma_start3A_89 = arith.constant 0 : i32
        %dma_start3A_90 = tpu.memref_slice %arg3[%run_scoped3A, %select_n3A, %dma_start3A_89] : memref<2x2500x128xi32, #tpu.memory_space<hbm>> -> memref<1x78x128xi32, #tpu.memory_space<hbm>>
        %dma_start3A_91 = tpu.memref_squeeze %dma_start3A_90 : memref<1x78x128xi32, #tpu.memory_space<hbm>> -> memref<78x128xi32, #tpu.memory_space<hbm>>
        %dma_start3A_92 = arith.constant 0 : i32
        %dma_start3A_93 = arith.constant 0 : i32
        %dma_start3A_94 = tpu.memref_slice %arg10[%dma_start3A_92, %dma_start3A_93] : memref<79x128xi32, #tpu.memory_space<vmem>> -> memref<78x128xi32, #tpu.memory_space<vmem>>
        %dma_start3A_95 = arith.constant 0 : i32
        %dma_start3A_96 = tpu.memref_slice %arg3[%run_scoped3A, %select_n3A, %dma_start3A_95] : memref<2x2500x128xi32, #tpu.memory_space<hbm>> -> memref<1x78x128xi32, #tpu.memory_space<hbm>>
        %dma_start3A_97 = tpu.memref_squeeze %dma_start3A_96 : memref<1x78x128xi32, #tpu.memory_space<hbm>> -> memref<78x128xi32, #tpu.memory_space<hbm>>
        tpu.enqueue_dma source(%dma_start3A_97 : memref<78x128xi32, #tpu.memory_space<hbm>>) target(%dma_start3A_94 : memref<78x128xi32, #tpu.memory_space<vmem>>) target_semaphore(%run_scoped3A_86 : memref<!tpu.dma_semaphore, #tpu.memory_space<semaphore_mem>>)
        %dma_wait3A = arith.constant 0 : i32
        %dma_wait3A_98 = arith.constant 0 : i32
        %dma_wait3A_99 = tpu.memref_slice %arg10[%dma_wait3A, %dma_wait3A_98] : memref<79x128xi32, #tpu.memory_space<vmem>> -> memref<78x128xi32, #tpu.memory_space<vmem>>
        %dma_wait3A_100 = arith.constant 0 : i32
        %dma_wait3A_101 = tpu.memref_slice %arg3[%run_scoped3A, %select_n3A, %dma_wait3A_100] : memref<2x2500x128xi32, #tpu.memory_space<hbm>> -> memref<1x78x128xi32, #tpu.memory_space<hbm>>
        %dma_wait3A_102 = tpu.memref_squeeze %dma_wait3A_101 : memref<1x78x128xi32, #tpu.memory_space<hbm>> -> memref<78x128xi32, #tpu.memory_space<hbm>>
        %dma_wait3A_103 = arith.constant 0 : i32
        %dma_wait3A_104 = arith.constant 0 : i32
        %dma_wait3A_105 = tpu.memref_slice %arg10[%dma_wait3A_103, %dma_wait3A_104] : memref<79x128xi32, #tpu.memory_space<vmem>> -> memref<78x128xi32, #tpu.memory_space<vmem>>
        %dma_wait3A_106 = arith.constant 0 : i32
        %dma_wait3A_107 = tpu.memref_slice %arg3[%run_scoped3A, %select_n3A, %dma_wait3A_106] : memref<2x2500x128xi32, #tpu.memory_space<hbm>> -> memref<1x78x128xi32, #tpu.memory_space<hbm>>
        %dma_wait3A_108 = tpu.memref_squeeze %dma_wait3A_107 : memref<1x78x128xi32, #tpu.memory_space<hbm>> -> memref<78x128xi32, #tpu.memory_space<hbm>>
        tpu.wait_dma2 semaphore(%run_scoped3A_86 : memref<!tpu.dma_semaphore, #tpu.memory_space<semaphore_mem>>) src(%dma_wait3A_108 : memref<78x128xi32, #tpu.memory_space<hbm>>) dst(%dma_wait3A_105 : memref<78x128xi32, #tpu.memory_space<vmem>>)
        tpu.yield
      }) : () -> ()
      %run_scoped3A_85 = arith.constant 1 : i32
      "tpu.region"() ({
        %run_scoped3A_86 = tpu.sem_alloc : memref<!tpu.dma_semaphore, #tpu.memory_space<semaphore_mem>>
        %dma_start3A = arith.constant 0 : i32
        %dma_start3A_87 = arith.constant 0 : i32
        %dma_start3A_88 = tpu.memref_slice %arg11[%dma_start3A, %dma_start3A_87] : memref<79x128xi32, #tpu.memory_space<vmem>> -> memref<78x128xi32, #tpu.memory_space<vmem>>
        %dma_start3A_89 = arith.constant 0 : i32
        %dma_start3A_90 = tpu.memref_slice %arg3[%run_scoped3A_85, %select_n3A, %dma_start3A_89] : memref<2x2500x128xi32, #tpu.memory_space<hbm>> -> memref<1x78x128xi32, #tpu.memory_space<hbm>>
        %dma_start3A_91 = tpu.memref_squeeze %dma_start3A_90 : memref<1x78x128xi32, #tpu.memory_space<hbm>> -> memref<78x128xi32, #tpu.memory_space<hbm>>
        %dma_start3A_92 = arith.constant 0 : i32
        %dma_start3A_93 = arith.constant 0 : i32
        %dma_start3A_94 = tpu.memref_slice %arg11[%dma_start3A_92, %dma_start3A_93] : memref<79x128xi32, #tpu.memory_space<vmem>> -> memref<78x128xi32, #tpu.memory_space<vmem>>
        %dma_start3A_95 = arith.constant 0 : i32
        %dma_start3A_96 = tpu.memref_slice %arg3[%run_scoped3A_85, %select_n3A, %dma_start3A_95] : memref<2x2500x128xi32, #tpu.memory_space<hbm>> -> memref<1x78x128xi32, #tpu.memory_space<hbm>>
        %dma_start3A_97 = tpu.memref_squeeze %dma_start3A_96 : memref<1x78x128xi32, #tpu.memory_space<hbm>> -> memref<78x128xi32, #tpu.memory_space<hbm>>
        tpu.enqueue_dma source(%dma_start3A_97 : memref<78x128xi32, #tpu.memory_space<hbm>>) target(%dma_start3A_94 : memref<78x128xi32, #tpu.memory_space<vmem>>) target_semaphore(%run_scoped3A_86 : memref<!tpu.dma_semaphore, #tpu.memory_space<semaphore_mem>>)
        %dma_wait3A = arith.constant 0 : i32
        %dma_wait3A_98 = arith.constant 0 : i32
        %dma_wait3A_99 = tpu.memref_slice %arg11[%dma_wait3A, %dma_wait3A_98] : memref<79x128xi32, #tpu.memory_space<vmem>> -> memref<78x128xi32, #tpu.memory_space<vmem>>
        %dma_wait3A_100 = arith.constant 0 : i32
        %dma_wait3A_101 = tpu.memref_slice %arg3[%run_scoped3A_85, %select_n3A, %dma_wait3A_100] : memref<2x2500x128xi32, #tpu.memory_space<hbm>> -> memref<1x78x128xi32, #tpu.memory_space<hbm>>
        %dma_wait3A_102 = tpu.memref_squeeze %dma_wait3A_101 : memref<1x78x128xi32, #tpu.memory_space<hbm>> -> memref<78x128xi32, #tpu.memory_space<hbm>>
        %dma_wait3A_103 = arith.constant 0 : i32
        %dma_wait3A_104 = arith.constant 0 : i32
        %dma_wait3A_105 = tpu.memref_slice %arg11[%dma_wait3A_103, %dma_wait3A_104] : memref<79x128xi32, #tpu.memory_space<vmem>> -> memref<78x128xi32, #tpu.memory_space<vmem>>
        %dma_wait3A_106 = arith.constant 0 : i32
        %dma_wait3A_107 = tpu.memref_slice %arg3[%run_scoped3A_85, %select_n3A, %dma_wait3A_106] : memref<2x2500x128xi32, #tpu.memory_space<hbm>> -> memref<1x78x128xi32, #tpu.memory_space<hbm>>
        %dma_wait3A_108 = tpu.memref_squeeze %dma_wait3A_107 : memref<1x78x128xi32, #tpu.memory_space<hbm>> -> memref<78x128xi32, #tpu.memory_space<hbm>>
        tpu.wait_dma2 semaphore(%run_scoped3A_86 : memref<!tpu.dma_semaphore, #tpu.memory_space<semaphore_mem>>) src(%dma_wait3A_108 : memref<78x128xi32, #tpu.memory_space<hbm>>) dst(%dma_wait3A_105 : memref<78x128xi32, #tpu.memory_space<vmem>>)
        tpu.yield
      }) : () -> ()
    } else {
    }
    %ne3A_23 = arith.constant 0 : i32
    %ne3A_24 = arith.cmpi ne, %arg0, %ne3A_23 : i32
    %lt3A_25 = arith.constant 4 : i32
    %lt3A_26 = arith.cmpi slt, %arg1, %lt3A_25 : i32
    %and3A = arith.andi %ne3A_24, %lt3A_26 : i1
    %convert_element_type3A_27 = arith.extui %and3A : i1 to i32
    %cond3A_28 = arith.constant 0 : i32
    %cond3A_29 = arith.cmpi ne, %convert_element_type3A_27, %cond3A_28 : i32
    scf.if %cond3A_29 {
      %add3A_85 = arith.constant 78 : i32
      %add3A_86 = arith.addi %select_n3A, %add3A_85 : i32
      %run_scoped3A = arith.constant 0 : i32
      "tpu.region"() ({
        %run_scoped3A_90 = tpu.sem_alloc : memref<!tpu.dma_semaphore, #tpu.memory_space<semaphore_mem>>
        %dma_start3A = arith.constant 78 : i32
        %dma_start3A_91 = arith.constant 0 : i32
        %dma_start3A_92 = tpu.memref_slice %arg10[%dma_start3A, %dma_start3A_91] : memref<79x128xi32, #tpu.memory_space<vmem>> -> memref<1x128xi32, #tpu.memory_space<vmem>>
        %dma_start3A_93 = arith.constant 0 : i32
        %dma_start3A_94 = tpu.memref_slice %arg3[%run_scoped3A, %add3A_86, %dma_start3A_93] : memref<2x2500x128xi32, #tpu.memory_space<hbm>> -> memref<1x1x128xi32, #tpu.memory_space<hbm>>
        %dma_start3A_95 = tpu.memref_squeeze %dma_start3A_94 : memref<1x1x128xi32, #tpu.memory_space<hbm>> -> memref<1x128xi32, #tpu.memory_space<hbm>>
        %dma_start3A_96 = arith.constant 78 : i32
        %dma_start3A_97 = arith.constant 0 : i32
        %dma_start3A_98 = tpu.memref_slice %arg10[%dma_start3A_96, %dma_start3A_97] : memref<79x128xi32, #tpu.memory_space<vmem>> -> memref<1x128xi32, #tpu.memory_space<vmem>>
        %dma_start3A_99 = arith.constant 0 : i32
        %dma_start3A_100 = tpu.memref_slice %arg3[%run_scoped3A, %add3A_86, %dma_start3A_99] : memref<2x2500x128xi32, #tpu.memory_space<hbm>> -> memref<1x1x128xi32, #tpu.memory_space<hbm>>
        %dma_start3A_101 = tpu.memref_squeeze %dma_start3A_100 : memref<1x1x128xi32, #tpu.memory_space<hbm>> -> memref<1x128xi32, #tpu.memory_space<hbm>>
        tpu.enqueue_dma source(%dma_start3A_101 : memref<1x128xi32, #tpu.memory_space<hbm>>) target(%dma_start3A_98 : memref<1x128xi32, #tpu.memory_space<vmem>>) target_semaphore(%run_scoped3A_90 : memref<!tpu.dma_semaphore, #tpu.memory_space<semaphore_mem>>)
        %dma_wait3A = arith.constant 78 : i32
        %dma_wait3A_102 = arith.constant 0 : i32
        %dma_wait3A_103 = tpu.memref_slice %arg10[%dma_wait3A, %dma_wait3A_102] : memref<79x128xi32, #tpu.memory_space<vmem>> -> memref<1x128xi32, #tpu.memory_space<vmem>>
        %dma_wait3A_104 = arith.constant 0 : i32
        %dma_wait3A_105 = tpu.memref_slice %arg3[%run_scoped3A, %add3A_86, %dma_wait3A_104] : memref<2x2500x128xi32, #tpu.memory_space<hbm>> -> memref<1x1x128xi32, #tpu.memory_space<hbm>>
        %dma_wait3A_106 = tpu.memref_squeeze %dma_wait3A_105 : memref<1x1x128xi32, #tpu.memory_space<hbm>> -> memref<1x128xi32, #tpu.memory_space<hbm>>
        %dma_wait3A_107 = arith.constant 78 : i32
        %dma_wait3A_108 = arith.constant 0 : i32
        %dma_wait3A_109 = tpu.memref_slice %arg10[%dma_wait3A_107, %dma_wait3A_108] : memref<79x128xi32, #tpu.memory_space<vmem>> -> memref<1x128xi32, #tpu.memory_space<vmem>>
        %dma_wait3A_110 = arith.constant 0 : i32
        %dma_wait3A_111 = tpu.memref_slice %arg3[%run_scoped3A, %add3A_86, %dma_wait3A_110] : memref<2x2500x128xi32, #tpu.memory_space<hbm>> -> memref<1x1x128xi32, #tpu.memory_space<hbm>>
        %dma_wait3A_112 = tpu.memref_squeeze %dma_wait3A_111 : memref<1x1x128xi32, #tpu.memory_space<hbm>> -> memref<1x128xi32, #tpu.memory_space<hbm>>
        tpu.wait_dma2 semaphore(%run_scoped3A_90 : memref<!tpu.dma_semaphore, #tpu.memory_space<semaphore_mem>>) src(%dma_wait3A_112 : memref<1x128xi32, #tpu.memory_space<hbm>>) dst(%dma_wait3A_109 : memref<1x128xi32, #tpu.memory_space<vmem>>)
        tpu.yield
      }) : () -> ()
      %add3A_87 = arith.constant 78 : i32
      %add3A_88 = arith.addi %select_n3A, %add3A_87 : i32
      %run_scoped3A_89 = arith.constant 1 : i32
      "tpu.region"() ({
        %run_scoped3A_90 = tpu.sem_alloc : memref<!tpu.dma_semaphore, #tpu.memory_space<semaphore_mem>>
        %dma_start3A = arith.constant 78 : i32
        %dma_start3A_91 = arith.constant 0 : i32
        %dma_start3A_92 = tpu.memref_slice %arg11[%dma_start3A, %dma_start3A_91] : memref<79x128xi32, #tpu.memory_space<vmem>> -> memref<1x128xi32, #tpu.memory_space<vmem>>
        %dma_start3A_93 = arith.constant 0 : i32
        %dma_start3A_94 = tpu.memref_slice %arg3[%run_scoped3A_89, %add3A_88, %dma_start3A_93] : memref<2x2500x128xi32, #tpu.memory_space<hbm>> -> memref<1x1x128xi32, #tpu.memory_space<hbm>>
        %dma_start3A_95 = tpu.memref_squeeze %dma_start3A_94 : memref<1x1x128xi32, #tpu.memory_space<hbm>> -> memref<1x128xi32, #tpu.memory_space<hbm>>
        %dma_start3A_96 = arith.constant 78 : i32
        %dma_start3A_97 = arith.constant 0 : i32
        %dma_start3A_98 = tpu.memref_slice %arg11[%dma_start3A_96, %dma_start3A_97] : memref<79x128xi32, #tpu.memory_space<vmem>> -> memref<1x128xi32, #tpu.memory_space<vmem>>
        %dma_start3A_99 = arith.constant 0 : i32
        %dma_start3A_100 = tpu.memref_slice %arg3[%run_scoped3A_89, %add3A_88, %dma_start3A_99] : memref<2x2500x128xi32, #tpu.memory_space<hbm>> -> memref<1x1x128xi32, #tpu.memory_space<hbm>>
        %dma_start3A_101 = tpu.memref_squeeze %dma_start3A_100 : memref<1x1x128xi32, #tpu.memory_space<hbm>> -> memref<1x128xi32, #tpu.memory_space<hbm>>
        tpu.enqueue_dma source(%dma_start3A_101 : memref<1x128xi32, #tpu.memory_space<hbm>>) target(%dma_start3A_98 : memref<1x128xi32, #tpu.memory_space<vmem>>) target_semaphore(%run_scoped3A_90 : memref<!tpu.dma_semaphore, #tpu.memory_space<semaphore_mem>>)
        %dma_wait3A = arith.constant 78 : i32
        %dma_wait3A_102 = arith.constant 0 : i32
        %dma_wait3A_103 = tpu.memref_slice %arg11[%dma_wait3A, %dma_wait3A_102] : memref<79x128xi32, #tpu.memory_space<vmem>> -> memref<1x128xi32, #tpu.memory_space<vmem>>
        %dma_wait3A_104 = arith.constant 0 : i32
        %dma_wait3A_105 = tpu.memref_slice %arg3[%run_scoped3A_89, %add3A_88, %dma_wait3A_104] : memref<2x2500x128xi32, #tpu.memory_space<hbm>> -> memref<1x1x128xi32, #tpu.memory_space<hbm>>
        %dma_wait3A_106 = tpu.memref_squeeze %dma_wait3A_105 : memref<1x1x128xi32, #tpu.memory_space<hbm>> -> memref<1x128xi32, #tpu.memory_space<hbm>>
        %dma_wait3A_107 = arith.constant 78 : i32
        %dma_wait3A_108 = arith.constant 0 : i32
        %dma_wait3A_109 = tpu.memref_slice %arg11[%dma_wait3A_107, %dma_wait3A_108] : memref<79x128xi32, #tpu.memory_space<vmem>> -> memref<1x128xi32, #tpu.memory_space<vmem>>
        %dma_wait3A_110 = arith.constant 0 : i32
        %dma_wait3A_111 = tpu.memref_slice %arg3[%run_scoped3A_89, %add3A_88, %dma_wait3A_110] : memref<2x2500x128xi32, #tpu.memory_space<hbm>> -> memref<1x1x128xi32, #tpu.memory_space<hbm>>
        %dma_wait3A_112 = tpu.memref_squeeze %dma_wait3A_111 : memref<1x1x128xi32, #tpu.memory_space<hbm>> -> memref<1x128xi32, #tpu.memory_space<hbm>>
        tpu.wait_dma2 semaphore(%run_scoped3A_90 : memref<!tpu.dma_semaphore, #tpu.memory_space<semaphore_mem>>) src(%dma_wait3A_112 : memref<1x128xi32, #tpu.memory_space<hbm>>) dst(%dma_wait3A_109 : memref<1x128xi32, #tpu.memory_space<vmem>>)
        tpu.yield
      }) : () -> ()
    } else {
    }
    %barrier3A = arith.constant 0 : index
    tpu.barrier barrier_id(%barrier3A)
    %jit3A_30 = arith.constant 2 : i32
    %div3A = arith.divsi %select_n3A_14, %jit3A_30 : i32
    %sign3A = arith.constant 0 : i32
    %sign3A_31 = arith.cmpi sgt, %select_n3A_14, %sign3A : i32
    %sign3A_32 = arith.extui %sign3A_31 : i1 to i32
    %sign3A_33 = arith.constant 0 : i32
    %sign3A_34 = arith.cmpi slt, %select_n3A_14, %sign3A_33 : i32
    %sign3A_35 = arith.extui %sign3A_34 : i1 to i32
    %sign3A_36 = arith.subi %sign3A_32, %sign3A_35 : i32
    %sign3A_37 = arith.constant 0 : i32
    %sign3A_38 = arith.cmpi sgt, %jit3A_30, %sign3A_37 : i32
    %sign3A_39 = arith.extui %sign3A_38 : i1 to i32
    %sign3A_40 = arith.constant 0 : i32
    %sign3A_41 = arith.cmpi slt, %jit3A_30, %sign3A_40 : i32
    %sign3A_42 = arith.extui %sign3A_41 : i1 to i32
    %sign3A_43 = arith.subi %sign3A_39, %sign3A_42 : i32
    %ne3A_44 = arith.cmpi ne, %sign3A_36, %sign3A_43 : i32
    %rem3A = arith.remsi %select_n3A_14, %jit3A_30 : i32
    %ne3A_45 = arith.constant 0 : i32
    %ne3A_46 = arith.cmpi ne, %rem3A, %ne3A_45 : i32
    %and3A_47 = arith.andi %ne3A_44, %ne3A_46 : i1
    %sub3A = arith.constant 1 : i32
    %sub3A_48 = arith.subi %div3A, %sub3A : i32
    %select_n3A_49 = arith.select %and3A_47, %sub3A_48, %div3A : i32
    %gt3A = arith.constant 0 : i32
    %gt3A_50 = arith.cmpi sgt, %select_n3A_49, %gt3A : i32
    %convert_element_type3A_51 = arith.extui %gt3A_50 : i1 to i32
    %cond3A_52 = arith.constant 0 : i32
    %cond3A_53 = arith.cmpi ne, %convert_element_type3A_51, %cond3A_52 : i32
    scf.if %cond3A_53 {
      %dma_start3A = arith.constant 0 : i32
      %dma_start3A_85 = arith.constant 0 : i32
      %dma_start3A_86 = tpu.memref_slice %arg10[%dma_start3A, %dma_start3A_85] : memref<79x128xi32, #tpu.memory_space<vmem>> -> memref<1x128xi32, #tpu.memory_space<vmem>>
      %dma_start3A_87 = tpu.memref_squeeze %dma_start3A_86 : memref<1x128xi32, #tpu.memory_space<vmem>> -> memref<128xi32, #tpu.memory_space<vmem>>
      %dma_start3A_88 = arith.constant 0 : i32
      %dma_start3A_89 = arith.constant 0 : i32
      %dma_start3A_90 = tpu.memref_slice %arg2[%dma_start3A_88, %dma_start3A_89] : memref<10112x64xf32, #tpu.memory_space<hbm>> -> memref<10112x64xf32, #tpu.memory_space<hbm>>
      tpu.enqueue_indirect_dma source(%dma_start3A_90 : memref<10112x64xf32, #tpu.memory_space<hbm>>) target(%arg12 : memref<128x64xf32, #tpu.memory_space<vmem>>) offsets(%dma_start3A_87 : memref<128xi32, #tpu.memory_space<vmem>>) semaphore(%arg14 : memref<!tpu.dma_semaphore, #tpu.memory_space<semaphore_mem>>)
    } else {
    }
    %while3A = arith.constant 0 : i32
    %while3A_54 = arith.constant 0 : i32
    %while3A_55 = arith.subi %select_n3A_49, %while3A_54 : i32
    %while3A_56 = arith.addi %while3A_54, %while3A_55 : i32
    %while3A_57 = arith.constant 1 : i32
    %while3A_58 = arith.divsi %while3A_55, %while3A_57 : i32
    %while3A_59 = arith.muli %while3A_58, %while3A_57 : i32
    %while3A_60 = arith.addi %while3A_54, %while3A_59 : i32
    %while3A_61 = arith.constant 1 : i32
    scf.for %while3A_85 = %while3A_54 to %while3A_60 step %while3A_61  : i32 {
      %mul3A_86 = arith.constant 2 : i32
      %mul3A_87 = arith.muli %mul3A_86, %while3A_85 : i32
      %add3A_88 = arith.constant 1 : i32
      %add3A_89 = arith.addi %mul3A_87, %add3A_88 : i32
      %dma_start3A = arith.constant 0 : i32
      %dma_start3A_90 = tpu.memref_slice %arg10[%add3A_89, %dma_start3A] : memref<79x128xi32, #tpu.memory_space<vmem>> -> memref<1x128xi32, #tpu.memory_space<vmem>>
      %dma_start3A_91 = tpu.memref_squeeze %dma_start3A_90 : memref<1x128xi32, #tpu.memory_space<vmem>> -> memref<128xi32, #tpu.memory_space<vmem>>
      %dma_start3A_92 = arith.constant 0 : i32
      %dma_start3A_93 = arith.constant 0 : i32
      %dma_start3A_94 = tpu.memref_slice %arg2[%dma_start3A_92, %dma_start3A_93] : memref<10112x64xf32, #tpu.memory_space<hbm>> -> memref<10112x64xf32, #tpu.memory_space<hbm>>
      tpu.enqueue_indirect_dma source(%dma_start3A_94 : memref<10112x64xf32, #tpu.memory_space<hbm>>) target(%arg13 : memref<128x64xf32, #tpu.memory_space<vmem>>) offsets(%dma_start3A_91 : memref<128xi32, #tpu.memory_space<vmem>>) semaphore(%arg15 : memref<!tpu.dma_semaphore, #tpu.memory_space<semaphore_mem>>)
      %dma_wait3A = arith.constant 0 : i32
      %dma_wait3A_95 = tpu.memref_slice %arg10[%mul3A_87, %dma_wait3A] : memref<79x128xi32, #tpu.memory_space<vmem>> -> memref<1x128xi32, #tpu.memory_space<vmem>>
      %dma_wait3A_96 = tpu.memref_squeeze %dma_wait3A_95 : memref<1x128xi32, #tpu.memory_space<vmem>> -> memref<128xi32, #tpu.memory_space<vmem>>
      %dma_wait3A_97 = arith.constant 0 : i32
      %dma_wait3A_98 = arith.constant 0 : i32
      %dma_wait3A_99 = tpu.memref_slice %arg2[%dma_wait3A_97, %dma_wait3A_98] : memref<10112x64xf32, #tpu.memory_space<hbm>> -> memref<10112x64xf32, #tpu.memory_space<hbm>>
      tpu.wait_indirect_dma semaphore(%arg14 : memref<!tpu.dma_semaphore, #tpu.memory_space<semaphore_mem>>) src(%dma_wait3A_99 : memref<10112x64xf32, #tpu.memory_space<hbm>>) dst(%arg12 : memref<128x64xf32, #tpu.memory_space<vmem>>)
      %dma_start3A_100 = arith.constant 0 : i32
      %dma_start3A_101 = tpu.memref_slice %arg11[%mul3A_87, %dma_start3A_100] : memref<79x128xi32, #tpu.memory_space<vmem>> -> memref<1x128xi32, #tpu.memory_space<vmem>>
      %dma_start3A_102 = tpu.memref_squeeze %dma_start3A_101 : memref<1x128xi32, #tpu.memory_space<vmem>> -> memref<128xi32, #tpu.memory_space<vmem>>
      %dma_start3A_103 = arith.constant 0 : i32
      %dma_start3A_104 = arith.constant 0 : i32
      %dma_start3A_105 = tpu.memref_slice %arg18[%dma_start3A_103, %dma_start3A_104] : memref<10112x16xf32, #tpu.memory_space<vmem_shared>> -> memref<10112x16xf32, #tpu.memory_space<vmem_shared>>
      tpu.enqueue_indirect_dma source(%arg19 : memref<128x16xf32, #tpu.memory_space<vmem>>) target(%dma_start3A_105 : memref<10112x16xf32, #tpu.memory_space<vmem_shared>>) offsets(%dma_start3A_102 : memref<128xi32, #tpu.memory_space<vmem>>) semaphore(%arg20 : memref<!tpu.dma_semaphore, #tpu.memory_space<semaphore_mem>>) {add = true}
      %dma_start3A_106 = arith.constant 0 : i32
      %dma_start3A_107 = tpu.memref_slice %arg11[%mul3A_87, %dma_start3A_106] : memref<79x128xi32, #tpu.memory_space<vmem>> -> memref<1x128xi32, #tpu.memory_space<vmem>>
      %dma_start3A_108 = tpu.memref_squeeze %dma_start3A_107 : memref<1x128xi32, #tpu.memory_space<vmem>> -> memref<128xi32, #tpu.memory_space<vmem>>
      %dma_start3A_109 = arith.constant 0 : i32
      %dma_start3A_110 = arith.constant 0 : i32
      %dma_start3A_111 = tpu.memref_slice %arg9[%dma_start3A_109, %dma_start3A_110] : memref<10112x64xf32, #tpu.memory_space<vmem_shared>> -> memref<10112x64xf32, #tpu.memory_space<vmem_shared>>
      tpu.enqueue_indirect_dma source(%arg12 : memref<128x64xf32, #tpu.memory_space<vmem>>) target(%dma_start3A_111 : memref<10112x64xf32, #tpu.memory_space<vmem_shared>>) offsets(%dma_start3A_108 : memref<128xi32, #tpu.memory_space<vmem>>) semaphore(%arg16 : memref<!tpu.dma_semaphore, #tpu.memory_space<semaphore_mem>>) {add = true}
      %dma_wait3A_112 = arith.constant 0 : i32
      %dma_wait3A_113 = tpu.memref_slice %arg11[%mul3A_87, %dma_wait3A_112] : memref<79x128xi32, #tpu.memory_space<vmem>> -> memref<1x128xi32, #tpu.memory_space<vmem>>
      %dma_wait3A_114 = tpu.memref_squeeze %dma_wait3A_113 : memref<1x128xi32, #tpu.memory_space<vmem>> -> memref<128xi32, #tpu.memory_space<vmem>>
      %dma_wait3A_115 = arith.constant 0 : i32
      %dma_wait3A_116 = arith.constant 0 : i32
      %dma_wait3A_117 = tpu.memref_slice %arg9[%dma_wait3A_115, %dma_wait3A_116] : memref<10112x64xf32, #tpu.memory_space<vmem_shared>> -> memref<10112x64xf32, #tpu.memory_space<vmem_shared>>
      tpu.wait_indirect_dma semaphore(%arg16 : memref<!tpu.dma_semaphore, #tpu.memory_space<semaphore_mem>>) src(%arg12 : memref<128x64xf32, #tpu.memory_space<vmem>>) dst(%dma_wait3A_117 : memref<10112x64xf32, #tpu.memory_space<vmem_shared>>)
      %dma_wait3A_118 = arith.constant 0 : i32
      %dma_wait3A_119 = tpu.memref_slice %arg11[%mul3A_87, %dma_wait3A_118] : memref<79x128xi32, #tpu.memory_space<vmem>> -> memref<1x128xi32, #tpu.memory_space<vmem>>
      %dma_wait3A_120 = tpu.memref_squeeze %dma_wait3A_119 : memref<1x128xi32, #tpu.memory_space<vmem>> -> memref<128xi32, #tpu.memory_space<vmem>>
      %dma_wait3A_121 = arith.constant 0 : i32
      %dma_wait3A_122 = arith.constant 0 : i32
      %dma_wait3A_123 = tpu.memref_slice %arg18[%dma_wait3A_121, %dma_wait3A_122] : memref<10112x16xf32, #tpu.memory_space<vmem_shared>> -> memref<10112x16xf32, #tpu.memory_space<vmem_shared>>
      tpu.wait_indirect_dma semaphore(%arg20 : memref<!tpu.dma_semaphore, #tpu.memory_space<semaphore_mem>>) src(%arg19 : memref<128x16xf32, #tpu.memory_space<vmem>>) dst(%dma_wait3A_123 : memref<10112x16xf32, #tpu.memory_space<vmem_shared>>)
      %add3A_124 = arith.constant 1 : i32
      %add3A_125 = arith.addi %while3A_85, %add3A_124 : i32
      %lt3A_126 = arith.cmpi slt, %add3A_125, %select_n3A_49 : i32
      %convert_element_type3A_127 = arith.extui %lt3A_126 : i1 to i32
      %cond3A_128 = arith.constant 0 : i32
      %cond3A_129 = arith.cmpi ne, %convert_element_type3A_127, %cond3A_128 : i32
      scf.if %cond3A_129 {
        %add3A_166 = arith.constant 2 : i32
        %add3A_167 = arith.addi %mul3A_87, %add3A_166 : i32
        %dma_start3A_168 = arith.constant 0 : i32
        %dma_start3A_169 = tpu.memref_slice %arg10[%add3A_167, %dma_start3A_168] : memref<79x128xi32, #tpu.memory_space<vmem>> -> memref<1x128xi32, #tpu.memory_space<vmem>>
        %dma_start3A_170 = tpu.memref_squeeze %dma_start3A_169 : memref<1x128xi32, #tpu.memory_space<vmem>> -> memref<128xi32, #tpu.memory_space<vmem>>
        %dma_start3A_171 = arith.constant 0 : i32
        %dma_start3A_172 = arith.constant 0 : i32
        %dma_start3A_173 = tpu.memref_slice %arg2[%dma_start3A_171, %dma_start3A_172] : memref<10112x64xf32, #tpu.memory_space<hbm>> -> memref<10112x64xf32, #tpu.memory_space<hbm>>
        tpu.enqueue_indirect_dma source(%dma_start3A_173 : memref<10112x64xf32, #tpu.memory_space<hbm>>) target(%arg12 : memref<128x64xf32, #tpu.memory_space<vmem>>) offsets(%dma_start3A_170 : memref<128xi32, #tpu.memory_space<vmem>>) semaphore(%arg14 : memref<!tpu.dma_semaphore, #tpu.memory_space<semaphore_mem>>)
      } else {
      }
      %add3A_130 = arith.constant 1 : i32
      %add3A_131 = arith.addi %mul3A_87, %add3A_130 : i32
      %dma_wait3A_132 = arith.constant 0 : i32
      %dma_wait3A_133 = tpu.memref_slice %arg10[%add3A_131, %dma_wait3A_132] : memref<79x128xi32, #tpu.memory_space<vmem>> -> memref<1x128xi32, #tpu.memory_space<vmem>>
      %dma_wait3A_134 = tpu.memref_squeeze %dma_wait3A_133 : memref<1x128xi32, #tpu.memory_space<vmem>> -> memref<128xi32, #tpu.memory_space<vmem>>
      %dma_wait3A_135 = arith.constant 0 : i32
      %dma_wait3A_136 = arith.constant 0 : i32
      %dma_wait3A_137 = tpu.memref_slice %arg2[%dma_wait3A_135, %dma_wait3A_136] : memref<10112x64xf32, #tpu.memory_space<hbm>> -> memref<10112x64xf32, #tpu.memory_space<hbm>>
      tpu.wait_indirect_dma semaphore(%arg15 : memref<!tpu.dma_semaphore, #tpu.memory_space<semaphore_mem>>) src(%dma_wait3A_137 : memref<10112x64xf32, #tpu.memory_space<hbm>>) dst(%arg13 : memref<128x64xf32, #tpu.memory_space<vmem>>)
      %add3A_138 = arith.constant 1 : i32
      %add3A_139 = arith.addi %mul3A_87, %add3A_138 : i32
      %dma_start3A_140 = arith.constant 0 : i32
      %dma_start3A_141 = tpu.memref_slice %arg11[%add3A_139, %dma_start3A_140] : memref<79x128xi32, #tpu.memory_space<vmem>> -> memref<1x128xi32, #tpu.memory_space<vmem>>
      %dma_start3A_142 = tpu.memref_squeeze %dma_start3A_141 : memref<1x128xi32, #tpu.memory_space<vmem>> -> memref<128xi32, #tpu.memory_space<vmem>>
      %dma_start3A_143 = arith.constant 0 : i32
      %dma_start3A_144 = arith.constant 0 : i32
      %dma_start3A_145 = tpu.memref_slice %arg18[%dma_start3A_143, %dma_start3A_144] : memref<10112x16xf32, #tpu.memory_space<vmem_shared>> -> memref<10112x16xf32, #tpu.memory_space<vmem_shared>>
      tpu.enqueue_indirect_dma source(%arg19 : memref<128x16xf32, #tpu.memory_space<vmem>>) target(%dma_start3A_145 : memref<10112x16xf32, #tpu.memory_space<vmem_shared>>) offsets(%dma_start3A_142 : memref<128xi32, #tpu.memory_space<vmem>>) semaphore(%arg20 : memref<!tpu.dma_semaphore, #tpu.memory_space<semaphore_mem>>) {add = true}
      %dma_start3A_146 = arith.constant 0 : i32
      %dma_start3A_147 = tpu.memref_slice %arg11[%add3A_139, %dma_start3A_146] : memref<79x128xi32, #tpu.memory_space<vmem>> -> memref<1x128xi32, #tpu.memory_space<vmem>>
      %dma_start3A_148 = tpu.memref_squeeze %dma_start3A_147 : memref<1x128xi32, #tpu.memory_space<vmem>> -> memref<128xi32, #tpu.memory_space<vmem>>
      %dma_start3A_149 = arith.constant 0 : i32
      %dma_start3A_150 = arith.constant 0 : i32
      %dma_start3A_151 = tpu.memref_slice %arg9[%dma_start3A_149, %dma_start3A_150] : memref<10112x64xf32, #tpu.memory_space<vmem_shared>> -> memref<10112x64xf32, #tpu.memory_space<vmem_shared>>
      tpu.enqueue_indirect_dma source(%arg13 : memref<128x64xf32, #tpu.memory_space<vmem>>) target(%dma_start3A_151 : memref<10112x64xf32, #tpu.memory_space<vmem_shared>>) offsets(%dma_start3A_148 : memref<128xi32, #tpu.memory_space<vmem>>) semaphore(%arg17 : memref<!tpu.dma_semaphore, #tpu.memory_space<semaphore_mem>>) {add = true}
      %add3A_152 = arith.constant 1 : i32
      %add3A_153 = arith.addi %mul3A_87, %add3A_152 : i32
      %dma_wait3A_154 = arith.constant 0 : i32
      %dma_wait3A_155 = tpu.memref_slice %arg11[%add3A_153, %dma_wait3A_154] : memref<79x128xi32, #tpu.memory_space<vmem>> -> memref<1x128xi32, #tpu.memory_space<vmem>>
      %dma_wait3A_156 = tpu.memref_squeeze %dma_wait3A_155 : memref<1x128xi32, #tpu.memory_space<vmem>> -> memref<128xi32, #tpu.memory_space<vmem>>
      %dma_wait3A_157 = arith.constant 0 : i32
      %dma_wait3A_158 = arith.constant 0 : i32
      %dma_wait3A_159 = tpu.memref_slice %arg9[%dma_wait3A_157, %dma_wait3A_158] : memref<10112x64xf32, #tpu.memory_space<vmem_shared>> -> memref<10112x64xf32, #tpu.memory_space<vmem_shared>>
      tpu.wait_indirect_dma semaphore(%arg17 : memref<!tpu.dma_semaphore, #tpu.memory_space<semaphore_mem>>) src(%arg13 : memref<128x64xf32, #tpu.memory_space<vmem>>) dst(%dma_wait3A_159 : memref<10112x64xf32, #tpu.memory_space<vmem_shared>>)
      %dma_wait3A_160 = arith.constant 0 : i32
      %dma_wait3A_161 = tpu.memref_slice %arg11[%add3A_153, %dma_wait3A_160] : memref<79x128xi32, #tpu.memory_space<vmem>> -> memref<1x128xi32, #tpu.memory_space<vmem>>
      %dma_wait3A_162 = tpu.memref_squeeze %dma_wait3A_161 : memref<1x128xi32, #tpu.memory_space<vmem>> -> memref<128xi32, #tpu.memory_space<vmem>>
      %dma_wait3A_163 = arith.constant 0 : i32
      %dma_wait3A_164 = arith.constant 0 : i32
      %dma_wait3A_165 = tpu.memref_slice %arg18[%dma_wait3A_163, %dma_wait3A_164] : memref<10112x16xf32, #tpu.memory_space<vmem_shared>> -> memref<10112x16xf32, #tpu.memory_space<vmem_shared>>
      tpu.wait_indirect_dma semaphore(%arg20 : memref<!tpu.dma_semaphore, #tpu.memory_space<semaphore_mem>>) src(%arg19 : memref<128x16xf32, #tpu.memory_space<vmem>>) dst(%dma_wait3A_165 : memref<10112x16xf32, #tpu.memory_space<vmem_shared>>)
    }
    %while3A_62 = arith.constant 1 : i32
    scf.for %while3A_85 = %while3A_60 to %while3A_56 step %while3A_62  : i32 {
      %mul3A_86 = arith.constant 2 : i32
      %mul3A_87 = arith.muli %mul3A_86, %while3A_85 : i32
      %add3A_88 = arith.constant 1 : i32
      %add3A_89 = arith.addi %mul3A_87, %add3A_88 : i32
      %dma_start3A = arith.constant 0 : i32
      %dma_start3A_90 = tpu.memref_slice %arg10[%add3A_89, %dma_start3A] : memref<79x128xi32, #tpu.memory_space<vmem>> -> memref<1x128xi32, #tpu.memory_space<vmem>>
      %dma_start3A_91 = tpu.memref_squeeze %dma_start3A_90 : memref<1x128xi32, #tpu.memory_space<vmem>> -> memref<128xi32, #tpu.memory_space<vmem>>
      %dma_start3A_92 = arith.constant 0 : i32
      %dma_start3A_93 = arith.constant 0 : i32
      %dma_start3A_94 = tpu.memref_slice %arg2[%dma_start3A_92, %dma_start3A_93] : memref<10112x64xf32, #tpu.memory_space<hbm>> -> memref<10112x64xf32, #tpu.memory_space<hbm>>
      tpu.enqueue_indirect_dma source(%dma_start3A_94 : memref<10112x64xf32, #tpu.memory_space<hbm>>) target(%arg13 : memref<128x64xf32, #tpu.memory_space<vmem>>) offsets(%dma_start3A_91 : memref<128xi32, #tpu.memory_space<vmem>>) semaphore(%arg15 : memref<!tpu.dma_semaphore, #tpu.memory_space<semaphore_mem>>)
      %dma_wait3A = arith.constant 0 : i32
      %dma_wait3A_95 = tpu.memref_slice %arg10[%mul3A_87, %dma_wait3A] : memref<79x128xi32, #tpu.memory_space<vmem>> -> memref<1x128xi32, #tpu.memory_space<vmem>>
      %dma_wait3A_96 = tpu.memref_squeeze %dma_wait3A_95 : memref<1x128xi32, #tpu.memory_space<vmem>> -> memref<128xi32, #tpu.memory_space<vmem>>
      %dma_wait3A_97 = arith.constant 0 : i32
      %dma_wait3A_98 = arith.constant 0 : i32
      %dma_wait3A_99 = tpu.memref_slice %arg2[%dma_wait3A_97, %dma_wait3A_98] : memref<10112x64xf32, #tpu.memory_space<hbm>> -> memref<10112x64xf32, #tpu.memory_space<hbm>>
      tpu.wait_indirect_dma semaphore(%arg14 : memref<!tpu.dma_semaphore, #tpu.memory_space<semaphore_mem>>) src(%dma_wait3A_99 : memref<10112x64xf32, #tpu.memory_space<hbm>>) dst(%arg12 : memref<128x64xf32, #tpu.memory_space<vmem>>)
      %dma_start3A_100 = arith.constant 0 : i32
      %dma_start3A_101 = tpu.memref_slice %arg11[%mul3A_87, %dma_start3A_100] : memref<79x128xi32, #tpu.memory_space<vmem>> -> memref<1x128xi32, #tpu.memory_space<vmem>>
      %dma_start3A_102 = tpu.memref_squeeze %dma_start3A_101 : memref<1x128xi32, #tpu.memory_space<vmem>> -> memref<128xi32, #tpu.memory_space<vmem>>
      %dma_start3A_103 = arith.constant 0 : i32
      %dma_start3A_104 = arith.constant 0 : i32
      %dma_start3A_105 = tpu.memref_slice %arg18[%dma_start3A_103, %dma_start3A_104] : memref<10112x16xf32, #tpu.memory_space<vmem_shared>> -> memref<10112x16xf32, #tpu.memory_space<vmem_shared>>
      tpu.enqueue_indirect_dma source(%arg19 : memref<128x16xf32, #tpu.memory_space<vmem>>) target(%dma_start3A_105 : memref<10112x16xf32, #tpu.memory_space<vmem_shared>>) offsets(%dma_start3A_102 : memref<128xi32, #tpu.memory_space<vmem>>) semaphore(%arg20 : memref<!tpu.dma_semaphore, #tpu.memory_space<semaphore_mem>>) {add = true}
      %dma_start3A_106 = arith.constant 0 : i32
      %dma_start3A_107 = tpu.memref_slice %arg11[%mul3A_87, %dma_start3A_106] : memref<79x128xi32, #tpu.memory_space<vmem>> -> memref<1x128xi32, #tpu.memory_space<vmem>>
      %dma_start3A_108 = tpu.memref_squeeze %dma_start3A_107 : memref<1x128xi32, #tpu.memory_space<vmem>> -> memref<128xi32, #tpu.memory_space<vmem>>
      %dma_start3A_109 = arith.constant 0 : i32
      %dma_start3A_110 = arith.constant 0 : i32
      %dma_start3A_111 = tpu.memref_slice %arg9[%dma_start3A_109, %dma_start3A_110] : memref<10112x64xf32, #tpu.memory_space<vmem_shared>> -> memref<10112x64xf32, #tpu.memory_space<vmem_shared>>
      tpu.enqueue_indirect_dma source(%arg12 : memref<128x64xf32, #tpu.memory_space<vmem>>) target(%dma_start3A_111 : memref<10112x64xf32, #tpu.memory_space<vmem_shared>>) offsets(%dma_start3A_108 : memref<128xi32, #tpu.memory_space<vmem>>) semaphore(%arg16 : memref<!tpu.dma_semaphore, #tpu.memory_space<semaphore_mem>>) {add = true}
      %dma_wait3A_112 = arith.constant 0 : i32
      %dma_wait3A_113 = tpu.memref_slice %arg11[%mul3A_87, %dma_wait3A_112] : memref<79x128xi32, #tpu.memory_space<vmem>> -> memref<1x128xi32, #tpu.memory_space<vmem>>
      %dma_wait3A_114 = tpu.memref_squeeze %dma_wait3A_113 : memref<1x128xi32, #tpu.memory_space<vmem>> -> memref<128xi32, #tpu.memory_space<vmem>>
      %dma_wait3A_115 = arith.constant 0 : i32
      %dma_wait3A_116 = arith.constant 0 : i32
      %dma_wait3A_117 = tpu.memref_slice %arg9[%dma_wait3A_115, %dma_wait3A_116] : memref<10112x64xf32, #tpu.memory_space<vmem_shared>> -> memref<10112x64xf32, #tpu.memory_space<vmem_shared>>
      tpu.wait_indirect_dma semaphore(%arg16 : memref<!tpu.dma_semaphore, #tpu.memory_space<semaphore_mem>>) src(%arg12 : memref<128x64xf32, #tpu.memory_space<vmem>>) dst(%dma_wait3A_117 : memref<10112x64xf32, #tpu.memory_space<vmem_shared>>)
      %dma_wait3A_118 = arith.constant 0 : i32
      %dma_wait3A_119 = tpu.memref_slice %arg11[%mul3A_87, %dma_wait3A_118] : memref<79x128xi32, #tpu.memory_space<vmem>> -> memref<1x128xi32, #tpu.memory_space<vmem>>
      %dma_wait3A_120 = tpu.memref_squeeze %dma_wait3A_119 : memref<1x128xi32, #tpu.memory_space<vmem>> -> memref<128xi32, #tpu.memory_space<vmem>>
      %dma_wait3A_121 = arith.constant 0 : i32
      %dma_wait3A_122 = arith.constant 0 : i32
      %dma_wait3A_123 = tpu.memref_slice %arg18[%dma_wait3A_121, %dma_wait3A_122] : memref<10112x16xf32, #tpu.memory_space<vmem_shared>> -> memref<10112x16xf32, #tpu.memory_space<vmem_shared>>
      tpu.wait_indirect_dma semaphore(%arg20 : memref<!tpu.dma_semaphore, #tpu.memory_space<semaphore_mem>>) src(%arg19 : memref<128x16xf32, #tpu.memory_space<vmem>>) dst(%dma_wait3A_123 : memref<10112x16xf32, #tpu.memory_space<vmem_shared>>)
      %add3A_124 = arith.constant 1 : i32
      %add3A_125 = arith.addi %while3A_85, %add3A_124 : i32
      %lt3A_126 = arith.cmpi slt, %add3A_125, %select_n3A_49 : i32
      %convert_element_type3A_127 = arith.extui %lt3A_126 : i1 to i32
      %cond3A_128 = arith.constant 0 : i32
      %cond3A_129 = arith.cmpi ne, %convert_element_type3A_127, %cond3A_128 : i32
      scf.if %cond3A_129 {
        %add3A_166 = arith.constant 2 : i32
        %add3A_167 = arith.addi %mul3A_87, %add3A_166 : i32
        %dma_start3A_168 = arith.constant 0 : i32
        %dma_start3A_169 = tpu.memref_slice %arg10[%add3A_167, %dma_start3A_168] : memref<79x128xi32, #tpu.memory_space<vmem>> -> memref<1x128xi32, #tpu.memory_space<vmem>>
        %dma_start3A_170 = tpu.memref_squeeze %dma_start3A_169 : memref<1x128xi32, #tpu.memory_space<vmem>> -> memref<128xi32, #tpu.memory_space<vmem>>
        %dma_start3A_171 = arith.constant 0 : i32
        %dma_start3A_172 = arith.constant 0 : i32
        %dma_start3A_173 = tpu.memref_slice %arg2[%dma_start3A_171, %dma_start3A_172] : memref<10112x64xf32, #tpu.memory_space<hbm>> -> memref<10112x64xf32, #tpu.memory_space<hbm>>
        tpu.enqueue_indirect_dma source(%dma_start3A_173 : memref<10112x64xf32, #tpu.memory_space<hbm>>) target(%arg12 : memref<128x64xf32, #tpu.memory_space<vmem>>) offsets(%dma_start3A_170 : memref<128xi32, #tpu.memory_space<vmem>>) semaphore(%arg14 : memref<!tpu.dma_semaphore, #tpu.memory_space<semaphore_mem>>)
      } else {
      }
      %add3A_130 = arith.constant 1 : i32
      %add3A_131 = arith.addi %mul3A_87, %add3A_130 : i32
      %dma_wait3A_132 = arith.constant 0 : i32
      %dma_wait3A_133 = tpu.memref_slice %arg10[%add3A_131, %dma_wait3A_132] : memref<79x128xi32, #tpu.memory_space<vmem>> -> memref<1x128xi32, #tpu.memory_space<vmem>>
      %dma_wait3A_134 = tpu.memref_squeeze %dma_wait3A_133 : memref<1x128xi32, #tpu.memory_space<vmem>> -> memref<128xi32, #tpu.memory_space<vmem>>
      %dma_wait3A_135 = arith.constant 0 : i32
      %dma_wait3A_136 = arith.constant 0 : i32
      %dma_wait3A_137 = tpu.memref_slice %arg2[%dma_wait3A_135, %dma_wait3A_136] : memref<10112x64xf32, #tpu.memory_space<hbm>> -> memref<10112x64xf32, #tpu.memory_space<hbm>>
      tpu.wait_indirect_dma semaphore(%arg15 : memref<!tpu.dma_semaphore, #tpu.memory_space<semaphore_mem>>) src(%dma_wait3A_137 : memref<10112x64xf32, #tpu.memory_space<hbm>>) dst(%arg13 : memref<128x64xf32, #tpu.memory_space<vmem>>)
      %add3A_138 = arith.constant 1 : i32
      %add3A_139 = arith.addi %mul3A_87, %add3A_138 : i32
      %dma_start3A_140 = arith.constant 0 : i32
      %dma_start3A_141 = tpu.memref_slice %arg11[%add3A_139, %dma_start3A_140] : memref<79x128xi32, #tpu.memory_space<vmem>> -> memref<1x128xi32, #tpu.memory_space<vmem>>
      %dma_start3A_142 = tpu.memref_squeeze %dma_start3A_141 : memref<1x128xi32, #tpu.memory_space<vmem>> -> memref<128xi32, #tpu.memory_space<vmem>>
      %dma_start3A_143 = arith.constant 0 : i32
      %dma_start3A_144 = arith.constant 0 : i32
      %dma_start3A_145 = tpu.memref_slice %arg18[%dma_start3A_143, %dma_start3A_144] : memref<10112x16xf32, #tpu.memory_space<vmem_shared>> -> memref<10112x16xf32, #tpu.memory_space<vmem_shared>>
      tpu.enqueue_indirect_dma source(%arg19 : memref<128x16xf32, #tpu.memory_space<vmem>>) target(%dma_start3A_145 : memref<10112x16xf32, #tpu.memory_space<vmem_shared>>) offsets(%dma_start3A_142 : memref<128xi32, #tpu.memory_space<vmem>>) semaphore(%arg20 : memref<!tpu.dma_semaphore, #tpu.memory_space<semaphore_mem>>) {add = true}
      %dma_start3A_146 = arith.constant 0 : i32
      %dma_start3A_147 = tpu.memref_slice %arg11[%add3A_139, %dma_start3A_146] : memref<79x128xi32, #tpu.memory_space<vmem>> -> memref<1x128xi32, #tpu.memory_space<vmem>>
      %dma_start3A_148 = tpu.memref_squeeze %dma_start3A_147 : memref<1x128xi32, #tpu.memory_space<vmem>> -> memref<128xi32, #tpu.memory_space<vmem>>
      %dma_start3A_149 = arith.constant 0 : i32
      %dma_start3A_150 = arith.constant 0 : i32
      %dma_start3A_151 = tpu.memref_slice %arg9[%dma_start3A_149, %dma_start3A_150] : memref<10112x64xf32, #tpu.memory_space<vmem_shared>> -> memref<10112x64xf32, #tpu.memory_space<vmem_shared>>
      tpu.enqueue_indirect_dma source(%arg13 : memref<128x64xf32, #tpu.memory_space<vmem>>) target(%dma_start3A_151 : memref<10112x64xf32, #tpu.memory_space<vmem_shared>>) offsets(%dma_start3A_148 : memref<128xi32, #tpu.memory_space<vmem>>) semaphore(%arg17 : memref<!tpu.dma_semaphore, #tpu.memory_space<semaphore_mem>>) {add = true}
      %add3A_152 = arith.constant 1 : i32
      %add3A_153 = arith.addi %mul3A_87, %add3A_152 : i32
      %dma_wait3A_154 = arith.constant 0 : i32
      %dma_wait3A_155 = tpu.memref_slice %arg11[%add3A_153, %dma_wait3A_154] : memref<79x128xi32, #tpu.memory_space<vmem>> -> memref<1x128xi32, #tpu.memory_space<vmem>>
      %dma_wait3A_156 = tpu.memref_squeeze %dma_wait3A_155 : memref<1x128xi32, #tpu.memory_space<vmem>> -> memref<128xi32, #tpu.memory_space<vmem>>
      %dma_wait3A_157 = arith.constant 0 : i32
      %dma_wait3A_158 = arith.constant 0 : i32
      %dma_wait3A_159 = tpu.memref_slice %arg9[%dma_wait3A_157, %dma_wait3A_158] : memref<10112x64xf32, #tpu.memory_space<vmem_shared>> -> memref<10112x64xf32, #tpu.memory_space<vmem_shared>>
      tpu.wait_indirect_dma semaphore(%arg17 : memref<!tpu.dma_semaphore, #tpu.memory_space<semaphore_mem>>) src(%arg13 : memref<128x64xf32, #tpu.memory_space<vmem>>) dst(%dma_wait3A_159 : memref<10112x64xf32, #tpu.memory_space<vmem_shared>>)
      %dma_wait3A_160 = arith.constant 0 : i32
      %dma_wait3A_161 = tpu.memref_slice %arg11[%add3A_153, %dma_wait3A_160] : memref<79x128xi32, #tpu.memory_space<vmem>> -> memref<1x128xi32, #tpu.memory_space<vmem>>
      %dma_wait3A_162 = tpu.memref_squeeze %dma_wait3A_161 : memref<1x128xi32, #tpu.memory_space<vmem>> -> memref<128xi32, #tpu.memory_space<vmem>>
      %dma_wait3A_163 = arith.constant 0 : i32
      %dma_wait3A_164 = arith.constant 0 : i32
      %dma_wait3A_165 = tpu.memref_slice %arg18[%dma_wait3A_163, %dma_wait3A_164] : memref<10112x16xf32, #tpu.memory_space<vmem_shared>> -> memref<10112x16xf32, #tpu.memory_space<vmem_shared>>
      tpu.wait_indirect_dma semaphore(%arg20 : memref<!tpu.dma_semaphore, #tpu.memory_space<semaphore_mem>>) src(%arg19 : memref<128x16xf32, #tpu.memory_space<vmem>>) dst(%dma_wait3A_165 : memref<10112x16xf32, #tpu.memory_space<vmem_shared>>)
    }
    %jit3A_63 = arith.constant 2 : i32
    %eq3A_64 = arith.constant 0 : i32
    %eq3A_65 = arith.cmpi eq, %jit3A_63, %eq3A_64 : i32
    %jit3A_66 = arith.constant 1 : i32
    %select_n3A_67 = arith.select %eq3A_65, %jit3A_66, %jit3A_63 : i32
    %rem3A_68 = arith.remsi %select_n3A_14, %select_n3A_67 : i32
    %ne3A_69 = arith.constant 0 : i32
    %ne3A_70 = arith.cmpi ne, %rem3A_68, %ne3A_69 : i32
    %lt3A_71 = arith.constant 0 : i32
    %lt3A_72 = arith.cmpi slt, %rem3A_68, %lt3A_71 : i32
    %lt3A_73 = arith.constant 0 : i32
    %lt3A_74 = arith.cmpi slt, %select_n3A_67, %lt3A_73 : i32
    %ne3A_75 = arith.xori %lt3A_72, %lt3A_74 : i1
    %and3A_76 = arith.andi %ne3A_75, %ne3A_70 : i1
    %add3A_77 = arith.addi %rem3A_68, %select_n3A_67 : i32
    %select_n3A_78 = arith.select %and3A_76, %add3A_77, %rem3A_68 : i32
    %eq3A_79 = arith.constant 1 : i32
    %eq3A_80 = arith.cmpi eq, %select_n3A_78, %eq3A_79 : i32
    %convert_element_type3A_81 = arith.extui %eq3A_80 : i1 to i32
    %cond3A_82 = arith.constant 0 : i32
    %cond3A_83 = arith.cmpi ne, %convert_element_type3A_81, %cond3A_82 : i32
    scf.if %cond3A_83 {
      %sub3A_85 = arith.constant 1 : i32
      %sub3A_86 = arith.subi %select_n3A_14, %sub3A_85 : i32
      %dma_start3A = arith.constant 0 : i32
      %dma_start3A_87 = tpu.memref_slice %arg10[%sub3A_86, %dma_start3A] : memref<79x128xi32, #tpu.memory_space<vmem>> -> memref<1x128xi32, #tpu.memory_space<vmem>>
      %dma_start3A_88 = tpu.memref_squeeze %dma_start3A_87 : memref<1x128xi32, #tpu.memory_space<vmem>> -> memref<128xi32, #tpu.memory_space<vmem>>
      %dma_start3A_89 = arith.constant 0 : i32
      %dma_start3A_90 = arith.constant 0 : i32
      %dma_start3A_91 = tpu.memref_slice %arg2[%dma_start3A_89, %dma_start3A_90] : memref<10112x64xf32, #tpu.memory_space<hbm>> -> memref<10112x64xf32, #tpu.memory_space<hbm>>
      tpu.enqueue_indirect_dma source(%dma_start3A_91 : memref<10112x64xf32, #tpu.memory_space<hbm>>) target(%arg12 : memref<128x64xf32, #tpu.memory_space<vmem>>) offsets(%dma_start3A_88 : memref<128xi32, #tpu.memory_space<vmem>>) semaphore(%arg14 : memref<!tpu.dma_semaphore, #tpu.memory_space<semaphore_mem>>)
      %dma_wait3A = arith.constant 0 : i32
      %dma_wait3A_92 = tpu.memref_slice %arg10[%sub3A_86, %dma_wait3A] : memref<79x128xi32, #tpu.memory_space<vmem>> -> memref<1x128xi32, #tpu.memory_space<vmem>>
      %dma_wait3A_93 = tpu.memref_squeeze %dma_wait3A_92 : memref<1x128xi32, #tpu.memory_space<vmem>> -> memref<128xi32, #tpu.memory_space<vmem>>
      %dma_wait3A_94 = arith.constant 0 : i32
      %dma_wait3A_95 = arith.constant 0 : i32
      %dma_wait3A_96 = tpu.memref_slice %arg2[%dma_wait3A_94, %dma_wait3A_95] : memref<10112x64xf32, #tpu.memory_space<hbm>> -> memref<10112x64xf32, #tpu.memory_space<hbm>>
      tpu.wait_indirect_dma semaphore(%arg14 : memref<!tpu.dma_semaphore, #tpu.memory_space<semaphore_mem>>) src(%dma_wait3A_96 : memref<10112x64xf32, #tpu.memory_space<hbm>>) dst(%arg12 : memref<128x64xf32, #tpu.memory_space<vmem>>)
      %dma_start3A_97 = arith.constant 0 : i32
      %dma_start3A_98 = tpu.memref_slice %arg11[%sub3A_86, %dma_start3A_97] : memref<79x128xi32, #tpu.memory_space<vmem>> -> memref<1x128xi32, #tpu.memory_space<vmem>>
      %dma_start3A_99 = tpu.memref_squeeze %dma_start3A_98 : memref<1x128xi32, #tpu.memory_space<vmem>> -> memref<128xi32, #tpu.memory_space<vmem>>
      %dma_start3A_100 = arith.constant 0 : i32
      %dma_start3A_101 = arith.constant 0 : i32
      %dma_start3A_102 = tpu.memref_slice %arg18[%dma_start3A_100, %dma_start3A_101] : memref<10112x16xf32, #tpu.memory_space<vmem_shared>> -> memref<10112x16xf32, #tpu.memory_space<vmem_shared>>
      tpu.enqueue_indirect_dma source(%arg19 : memref<128x16xf32, #tpu.memory_space<vmem>>) target(%dma_start3A_102 : memref<10112x16xf32, #tpu.memory_space<vmem_shared>>) offsets(%dma_start3A_99 : memref<128xi32, #tpu.memory_space<vmem>>) semaphore(%arg20 : memref<!tpu.dma_semaphore, #tpu.memory_space<semaphore_mem>>) {add = true}
      %dma_start3A_103 = arith.constant 0 : i32
      %dma_start3A_104 = tpu.memref_slice %arg11[%sub3A_86, %dma_start3A_103] : memref<79x128xi32, #tpu.memory_space<vmem>> -> memref<1x128xi32, #tpu.memory_space<vmem>>
      %dma_start3A_105 = tpu.memref_squeeze %dma_start3A_104 : memref<1x128xi32, #tpu.memory_space<vmem>> -> memref<128xi32, #tpu.memory_space<vmem>>
      %dma_start3A_106 = arith.constant 0 : i32
      %dma_start3A_107 = arith.constant 0 : i32
      %dma_start3A_108 = tpu.memref_slice %arg9[%dma_start3A_106, %dma_start3A_107] : memref<10112x64xf32, #tpu.memory_space<vmem_shared>> -> memref<10112x64xf32, #tpu.memory_space<vmem_shared>>
      tpu.enqueue_indirect_dma source(%arg12 : memref<128x64xf32, #tpu.memory_space<vmem>>) target(%dma_start3A_108 : memref<10112x64xf32, #tpu.memory_space<vmem_shared>>) offsets(%dma_start3A_105 : memref<128xi32, #tpu.memory_space<vmem>>) semaphore(%arg16 : memref<!tpu.dma_semaphore, #tpu.memory_space<semaphore_mem>>) {add = true}
      %dma_wait3A_109 = arith.constant 0 : i32
      %dma_wait3A_110 = tpu.memref_slice %arg11[%sub3A_86, %dma_wait3A_109] : memref<79x128xi32, #tpu.memory_space<vmem>> -> memref<1x128xi32, #tpu.memory_space<vmem>>
      %dma_wait3A_111 = tpu.memref_squeeze %dma_wait3A_110 : memref<1x128xi32, #tpu.memory_space<vmem>> -> memref<128xi32, #tpu.memory_space<vmem>>
      %dma_wait3A_112 = arith.constant 0 : i32
      %dma_wait3A_113 = arith.constant 0 : i32
      %dma_wait3A_114 = tpu.memref_slice %arg9[%dma_wait3A_112, %dma_wait3A_113] : memref<10112x64xf32, #tpu.memory_space<vmem_shared>> -> memref<10112x64xf32, #tpu.memory_space<vmem_shared>>
      tpu.wait_indirect_dma semaphore(%arg16 : memref<!tpu.dma_semaphore, #tpu.memory_space<semaphore_mem>>) src(%arg12 : memref<128x64xf32, #tpu.memory_space<vmem>>) dst(%dma_wait3A_114 : memref<10112x64xf32, #tpu.memory_space<vmem_shared>>)
      %dma_wait3A_115 = arith.constant 0 : i32
      %dma_wait3A_116 = tpu.memref_slice %arg11[%sub3A_86, %dma_wait3A_115] : memref<79x128xi32, #tpu.memory_space<vmem>> -> memref<1x128xi32, #tpu.memory_space<vmem>>
      %dma_wait3A_117 = tpu.memref_squeeze %dma_wait3A_116 : memref<1x128xi32, #tpu.memory_space<vmem>> -> memref<128xi32, #tpu.memory_space<vmem>>
      %dma_wait3A_118 = arith.constant 0 : i32
      %dma_wait3A_119 = arith.constant 0 : i32
      %dma_wait3A_120 = tpu.memref_slice %arg18[%dma_wait3A_118, %dma_wait3A_119] : memref<10112x16xf32, #tpu.memory_space<vmem_shared>> -> memref<10112x16xf32, #tpu.memory_space<vmem_shared>>
      tpu.wait_indirect_dma semaphore(%arg20 : memref<!tpu.dma_semaphore, #tpu.memory_space<semaphore_mem>>) src(%arg19 : memref<128x16xf32, #tpu.memory_space<vmem>>) dst(%dma_wait3A_120 : memref<10112x16xf32, #tpu.memory_space<vmem_shared>>)
    } else {
    }
    %barrier3A_84 = arith.constant 0 : index
    tpu.barrier barrier_id(%barrier3A_84)
    "tpu.region"() ({
      %run_scoped3A = tpu.sem_alloc : memref<!tpu.dma_semaphore, #tpu.memory_space<semaphore_mem>>
      %dma_start3A = arith.constant 0 : i32
      %dma_start3A_85 = tpu.memref_slice %arg7[%arg0, %mul3A_0, %dma_start3A] : memref<2x10112x64xf32, #tpu.memory_space<hbm>> -> memref<1x632x64xf32, #tpu.memory_space<hbm>>
      %dma_start3A_86 = tpu.memref_squeeze %dma_start3A_85 : memref<1x632x64xf32, #tpu.memory_space<hbm>> -> memref<632x64xf32, #tpu.memory_space<hbm>>
      %dma_start3A_87 = arith.constant 0 : i32
      %dma_start3A_88 = tpu.memref_slice %arg9[%mul3A_0, %dma_start3A_87] : memref<10112x64xf32, #tpu.memory_space<vmem_shared>> -> memref<632x64xf32, #tpu.memory_space<vmem_shared>>
      tpu.enqueue_dma source(%dma_start3A_88 : memref<632x64xf32, #tpu.memory_space<vmem_shared>>) target(%dma_start3A_86 : memref<632x64xf32, #tpu.memory_space<hbm>>) target_semaphore(%run_scoped3A : memref<!tpu.dma_semaphore, #tpu.memory_space<semaphore_mem>>)
      %dma_wait3A = arith.constant 0 : i32
      %dma_wait3A_89 = tpu.memref_slice %arg7[%arg0, %mul3A_0, %dma_wait3A] : memref<2x10112x64xf32, #tpu.memory_space<hbm>> -> memref<1x632x64xf32, #tpu.memory_space<hbm>>
      %dma_wait3A_90 = tpu.memref_squeeze %dma_wait3A_89 : memref<1x632x64xf32, #tpu.memory_space<hbm>> -> memref<632x64xf32, #tpu.memory_space<hbm>>
      %dma_wait3A_91 = arith.constant 0 : i32
      %dma_wait3A_92 = tpu.memref_slice %arg9[%mul3A_0, %dma_wait3A_91] : memref<10112x64xf32, #tpu.memory_space<vmem_shared>> -> memref<632x64xf32, #tpu.memory_space<vmem_shared>>
      tpu.wait_dma2 semaphore(%run_scoped3A : memref<!tpu.dma_semaphore, #tpu.memory_space<semaphore_mem>>) src(%dma_wait3A_92 : memref<632x64xf32, #tpu.memory_space<vmem_shared>>) dst(%dma_wait3A_90 : memref<632x64xf32, #tpu.memory_space<hbm>>)
      tpu.yield
    }) : () -> ()
    "tpu.region"() ({
      %run_scoped3A = tpu.sem_alloc : memref<!tpu.dma_semaphore, #tpu.memory_space<semaphore_mem>>
      %dma_start3A = arith.constant 0 : i32
      %dma_start3A_85 = tpu.memref_slice %arg8[%arg0, %mul3A_0, %dma_start3A] : memref<2x10112x16xf32, #tpu.memory_space<hbm>> -> memref<1x632x16xf32, #tpu.memory_space<hbm>>
      %dma_start3A_86 = tpu.memref_squeeze %dma_start3A_85 : memref<1x632x16xf32, #tpu.memory_space<hbm>> -> memref<632x16xf32, #tpu.memory_space<hbm>>
      %dma_start3A_87 = arith.constant 0 : i32
      %dma_start3A_88 = tpu.memref_slice %arg18[%mul3A_0, %dma_start3A_87] : memref<10112x16xf32, #tpu.memory_space<vmem_shared>> -> memref<632x16xf32, #tpu.memory_space<vmem_shared>>
      tpu.enqueue_dma source(%dma_start3A_88 : memref<632x16xf32, #tpu.memory_space<vmem_shared>>) target(%dma_start3A_86 : memref<632x16xf32, #tpu.memory_space<hbm>>) target_semaphore(%run_scoped3A : memref<!tpu.dma_semaphore, #tpu.memory_space<semaphore_mem>>)
      %dma_wait3A = arith.constant 0 : i32
      %dma_wait3A_89 = tpu.memref_slice %arg8[%arg0, %mul3A_0, %dma_wait3A] : memref<2x10112x16xf32, #tpu.memory_space<hbm>> -> memref<1x632x16xf32, #tpu.memory_space<hbm>>
      %dma_wait3A_90 = tpu.memref_squeeze %dma_wait3A_89 : memref<1x632x16xf32, #tpu.memory_space<hbm>> -> memref<632x16xf32, #tpu.memory_space<hbm>>
      %dma_wait3A_91 = arith.constant 0 : i32
      %dma_wait3A_92 = tpu.memref_slice %arg18[%mul3A_0, %dma_wait3A_91] : memref<10112x16xf32, #tpu.memory_space<vmem_shared>> -> memref<632x16xf32, #tpu.memory_space<vmem_shared>>
      tpu.wait_dma2 semaphore(%run_scoped3A : memref<!tpu.dma_semaphore, #tpu.memory_space<semaphore_mem>>) src(%dma_wait3A_92 : memref<632x16xf32, #tpu.memory_space<vmem_shared>>) dst(%dma_wait3A_90 : memref<632x16xf32, #tpu.memory_space<hbm>>)
      tpu.yield
    }) : () -> ()
    return
  }
}

#map = affine_map<(d0, d1) -> (0, 0)>
#map1 = affine_map<(d0, d1) -> (0, 0, 0)>
module attributes {stable_mosaic.version = 14 : i64} {
  func.func @seg(%arg0: i32, %arg1: i32, %arg2: memref<10112x32xf32, #tpu.memory_space<hbm>>, %arg3: memref<2x2500x128xi32, #tpu.memory_space<hbm>>, %arg4: memref<10112x32xf32, #tpu.memory_space<hbm>>, %arg5: memref<2x10112x32xf32, #tpu.memory_space<hbm>>, %arg6: memref<10112x32xf32, #tpu.memory_space<vmem_shared>>, %arg7: memref<79x128xi32, #tpu.memory_space<vmem>>, %arg8: memref<79x128xi32, #tpu.memory_space<vmem>>, %arg9: memref<128x32xf32, #tpu.memory_space<vmem>>, %arg10: memref<128x32xf32, #tpu.memory_space<vmem>>, %arg11: memref<!tpu.dma_semaphore, #tpu.memory_space<semaphore_mem>>, %arg12: memref<!tpu.dma_semaphore, #tpu.memory_space<semaphore_mem>>, %arg13: memref<!tpu.dma_semaphore, #tpu.memory_space<semaphore_mem>>, %arg14: memref<!tpu.dma_semaphore, #tpu.memory_space<semaphore_mem>>) attributes {dimension_semantics = [#tpu.dimension_semantics<core_parallel>, #tpu.dimension_semantics<subcore_parallel>], iteration_bounds = array<i64: 2, 16>, scalar_prefetch = 0 : i64, scratch_operands = 9 : i64, tpu.core_type = #tpu.core_type<sc_vector_subcore>, window_params = [{transform_indices = #map}, {transform_indices = #map1}, {transform_indices = #map}, {transform_indices = #map1}]} {
    %mul3A = arith.constant 632 : i32
    %mul3A_0 = arith.muli %arg1, %mul3A : i32
    %eq3A = arith.constant 0 : i32
    %eq3A_1 = arith.cmpi eq, %arg0, %eq3A : i32
    %mul3A_2 = arith.constant 78 : i32
    %mul3A_3 = arith.muli %arg1, %mul3A_2 : i32
    %mul3A_4 = arith.constant 78 : i32
    %mul3A_5 = arith.muli %arg1, %mul3A_4 : i32
    %add3A = arith.constant 1248 : i32
    %add3A_6 = arith.addi %add3A, %mul3A_5 : i32
    %min3A = arith.constant 4 : i32
    %min3A_7 = arith.minsi %arg1, %min3A : i32
    %add3A_8 = arith.addi %add3A_6, %min3A_7 : i32
    %select_n3A = arith.select %eq3A_1, %mul3A_3, %add3A_8 : i32
    %eq3A_9 = arith.constant 0 : i32
    %eq3A_10 = arith.cmpi eq, %arg0, %eq3A_9 : i32
    %lt3A = arith.constant 4 : i32
    %lt3A_11 = arith.cmpi slt, %arg1, %lt3A : i32
    %convert_element_type3A = arith.extui %lt3A_11 : i1 to i32
    %add3A_12 = arith.constant 78 : i32
    %add3A_13 = arith.addi %add3A_12, %convert_element_type3A : i32
    %jit3A = arith.constant 78 : i32
    %select_n3A_14 = arith.select %eq3A_10, %jit3A, %add3A_13 : i32
    "tpu.region"() ({
      %run_scoped3A = tpu.sem_alloc : memref<!tpu.dma_semaphore, #tpu.memory_space<semaphore_mem>>
      %dma_start3A = arith.constant 0 : i32
      %dma_start3A_85 = tpu.memref_slice %arg6[%mul3A_0, %dma_start3A] : memref<10112x32xf32, #tpu.memory_space<vmem_shared>> -> memref<632x32xf32, #tpu.memory_space<vmem_shared>>
      %dma_start3A_86 = arith.constant 0 : i32
      %dma_start3A_87 = tpu.memref_slice %arg4[%mul3A_0, %dma_start3A_86] : memref<10112x32xf32, #tpu.memory_space<hbm>> -> memref<632x32xf32, #tpu.memory_space<hbm>>
      tpu.enqueue_dma source(%dma_start3A_87 : memref<632x32xf32, #tpu.memory_space<hbm>>) target(%dma_start3A_85 : memref<632x32xf32, #tpu.memory_space<vmem_shared>>) target_semaphore(%run_scoped3A : memref<!tpu.dma_semaphore, #tpu.memory_space<semaphore_mem>>)
      %dma_wait3A = arith.constant 0 : i32
      %dma_wait3A_88 = tpu.memref_slice %arg6[%mul3A_0, %dma_wait3A] : memref<10112x32xf32, #tpu.memory_space<vmem_shared>> -> memref<632x32xf32, #tpu.memory_space<vmem_shared>>
      %dma_wait3A_89 = arith.constant 0 : i32
      %dma_wait3A_90 = tpu.memref_slice %arg4[%mul3A_0, %dma_wait3A_89] : memref<10112x32xf32, #tpu.memory_space<hbm>> -> memref<632x32xf32, #tpu.memory_space<hbm>>
      tpu.wait_dma2 semaphore(%run_scoped3A : memref<!tpu.dma_semaphore, #tpu.memory_space<semaphore_mem>>) src(%dma_wait3A_90 : memref<632x32xf32, #tpu.memory_space<hbm>>) dst(%dma_wait3A_88 : memref<632x32xf32, #tpu.memory_space<vmem_shared>>)
      tpu.yield
    }) : () -> ()
    %eq3A_15 = arith.constant 0 : i32
    %eq3A_16 = arith.cmpi eq, %arg0, %eq3A_15 : i32
    %convert_element_type3A_17 = arith.extui %eq3A_16 : i1 to i32
    %cond3A = arith.constant 0 : i32
    %cond3A_18 = arith.cmpi ne, %convert_element_type3A_17, %cond3A : i32
    scf.if %cond3A_18 {
      %run_scoped3A = arith.constant 0 : i32
      "tpu.region"() ({
        %run_scoped3A_86 = tpu.sem_alloc : memref<!tpu.dma_semaphore, #tpu.memory_space<semaphore_mem>>
        %dma_start3A = arith.constant 0 : i32
        %dma_start3A_87 = arith.constant 0 : i32
        %dma_start3A_88 = tpu.memref_slice %arg7[%dma_start3A, %dma_start3A_87] : memref<79x128xi32, #tpu.memory_space<vmem>> -> memref<78x128xi32, #tpu.memory_space<vmem>>
        %dma_start3A_89 = arith.constant 0 : i32
        %dma_start3A_90 = tpu.memref_slice %arg3[%run_scoped3A, %select_n3A, %dma_start3A_89] : memref<2x2500x128xi32, #tpu.memory_space<hbm>> -> memref<1x78x128xi32, #tpu.memory_space<hbm>>
        %dma_start3A_91 = tpu.memref_squeeze %dma_start3A_90 : memref<1x78x128xi32, #tpu.memory_space<hbm>> -> memref<78x128xi32, #tpu.memory_space<hbm>>
        %dma_start3A_92 = arith.constant 0 : i32
        %dma_start3A_93 = arith.constant 0 : i32
        %dma_start3A_94 = tpu.memref_slice %arg7[%dma_start3A_92, %dma_start3A_93] : memref<79x128xi32, #tpu.memory_space<vmem>> -> memref<78x128xi32, #tpu.memory_space<vmem>>
        %dma_start3A_95 = arith.constant 0 : i32
        %dma_start3A_96 = tpu.memref_slice %arg3[%run_scoped3A, %select_n3A, %dma_start3A_95] : memref<2x2500x128xi32, #tpu.memory_space<hbm>> -> memref<1x78x128xi32, #tpu.memory_space<hbm>>
        %dma_start3A_97 = tpu.memref_squeeze %dma_start3A_96 : memref<1x78x128xi32, #tpu.memory_space<hbm>> -> memref<78x128xi32, #tpu.memory_space<hbm>>
        tpu.enqueue_dma source(%dma_start3A_97 : memref<78x128xi32, #tpu.memory_space<hbm>>) target(%dma_start3A_94 : memref<78x128xi32, #tpu.memory_space<vmem>>) target_semaphore(%run_scoped3A_86 : memref<!tpu.dma_semaphore, #tpu.memory_space<semaphore_mem>>)
        %dma_wait3A = arith.constant 0 : i32
        %dma_wait3A_98 = arith.constant 0 : i32
        %dma_wait3A_99 = tpu.memref_slice %arg7[%dma_wait3A, %dma_wait3A_98] : memref<79x128xi32, #tpu.memory_space<vmem>> -> memref<78x128xi32, #tpu.memory_space<vmem>>
        %dma_wait3A_100 = arith.constant 0 : i32
        %dma_wait3A_101 = tpu.memref_slice %arg3[%run_scoped3A, %select_n3A, %dma_wait3A_100] : memref<2x2500x128xi32, #tpu.memory_space<hbm>> -> memref<1x78x128xi32, #tpu.memory_space<hbm>>
        %dma_wait3A_102 = tpu.memref_squeeze %dma_wait3A_101 : memref<1x78x128xi32, #tpu.memory_space<hbm>> -> memref<78x128xi32, #tpu.memory_space<hbm>>
        %dma_wait3A_103 = arith.constant 0 : i32
        %dma_wait3A_104 = arith.constant 0 : i32
        %dma_wait3A_105 = tpu.memref_slice %arg7[%dma_wait3A_103, %dma_wait3A_104] : memref<79x128xi32, #tpu.memory_space<vmem>> -> memref<78x128xi32, #tpu.memory_space<vmem>>
        %dma_wait3A_106 = arith.constant 0 : i32
        %dma_wait3A_107 = tpu.memref_slice %arg3[%run_scoped3A, %select_n3A, %dma_wait3A_106] : memref<2x2500x128xi32, #tpu.memory_space<hbm>> -> memref<1x78x128xi32, #tpu.memory_space<hbm>>
        %dma_wait3A_108 = tpu.memref_squeeze %dma_wait3A_107 : memref<1x78x128xi32, #tpu.memory_space<hbm>> -> memref<78x128xi32, #tpu.memory_space<hbm>>
        tpu.wait_dma2 semaphore(%run_scoped3A_86 : memref<!tpu.dma_semaphore, #tpu.memory_space<semaphore_mem>>) src(%dma_wait3A_108 : memref<78x128xi32, #tpu.memory_space<hbm>>) dst(%dma_wait3A_105 : memref<78x128xi32, #tpu.memory_space<vmem>>)
        tpu.yield
      }) : () -> ()
      %run_scoped3A_85 = arith.constant 1 : i32
      "tpu.region"() ({
        %run_scoped3A_86 = tpu.sem_alloc : memref<!tpu.dma_semaphore, #tpu.memory_space<semaphore_mem>>
        %dma_start3A = arith.constant 0 : i32
        %dma_start3A_87 = arith.constant 0 : i32
        %dma_start3A_88 = tpu.memref_slice %arg8[%dma_start3A, %dma_start3A_87] : memref<79x128xi32, #tpu.memory_space<vmem>> -> memref<78x128xi32, #tpu.memory_space<vmem>>
        %dma_start3A_89 = arith.constant 0 : i32
        %dma_start3A_90 = tpu.memref_slice %arg3[%run_scoped3A_85, %select_n3A, %dma_start3A_89] : memref<2x2500x128xi32, #tpu.memory_space<hbm>> -> memref<1x78x128xi32, #tpu.memory_space<hbm>>
        %dma_start3A_91 = tpu.memref_squeeze %dma_start3A_90 : memref<1x78x128xi32, #tpu.memory_space<hbm>> -> memref<78x128xi32, #tpu.memory_space<hbm>>
        %dma_start3A_92 = arith.constant 0 : i32
        %dma_start3A_93 = arith.constant 0 : i32
        %dma_start3A_94 = tpu.memref_slice %arg8[%dma_start3A_92, %dma_start3A_93] : memref<79x128xi32, #tpu.memory_space<vmem>> -> memref<78x128xi32, #tpu.memory_space<vmem>>
        %dma_start3A_95 = arith.constant 0 : i32
        %dma_start3A_96 = tpu.memref_slice %arg3[%run_scoped3A_85, %select_n3A, %dma_start3A_95] : memref<2x2500x128xi32, #tpu.memory_space<hbm>> -> memref<1x78x128xi32, #tpu.memory_space<hbm>>
        %dma_start3A_97 = tpu.memref_squeeze %dma_start3A_96 : memref<1x78x128xi32, #tpu.memory_space<hbm>> -> memref<78x128xi32, #tpu.memory_space<hbm>>
        tpu.enqueue_dma source(%dma_start3A_97 : memref<78x128xi32, #tpu.memory_space<hbm>>) target(%dma_start3A_94 : memref<78x128xi32, #tpu.memory_space<vmem>>) target_semaphore(%run_scoped3A_86 : memref<!tpu.dma_semaphore, #tpu.memory_space<semaphore_mem>>)
        %dma_wait3A = arith.constant 0 : i32
        %dma_wait3A_98 = arith.constant 0 : i32
        %dma_wait3A_99 = tpu.memref_slice %arg8[%dma_wait3A, %dma_wait3A_98] : memref<79x128xi32, #tpu.memory_space<vmem>> -> memref<78x128xi32, #tpu.memory_space<vmem>>
        %dma_wait3A_100 = arith.constant 0 : i32
        %dma_wait3A_101 = tpu.memref_slice %arg3[%run_scoped3A_85, %select_n3A, %dma_wait3A_100] : memref<2x2500x128xi32, #tpu.memory_space<hbm>> -> memref<1x78x128xi32, #tpu.memory_space<hbm>>
        %dma_wait3A_102 = tpu.memref_squeeze %dma_wait3A_101 : memref<1x78x128xi32, #tpu.memory_space<hbm>> -> memref<78x128xi32, #tpu.memory_space<hbm>>
        %dma_wait3A_103 = arith.constant 0 : i32
        %dma_wait3A_104 = arith.constant 0 : i32
        %dma_wait3A_105 = tpu.memref_slice %arg8[%dma_wait3A_103, %dma_wait3A_104] : memref<79x128xi32, #tpu.memory_space<vmem>> -> memref<78x128xi32, #tpu.memory_space<vmem>>
        %dma_wait3A_106 = arith.constant 0 : i32
        %dma_wait3A_107 = tpu.memref_slice %arg3[%run_scoped3A_85, %select_n3A, %dma_wait3A_106] : memref<2x2500x128xi32, #tpu.memory_space<hbm>> -> memref<1x78x128xi32, #tpu.memory_space<hbm>>
        %dma_wait3A_108 = tpu.memref_squeeze %dma_wait3A_107 : memref<1x78x128xi32, #tpu.memory_space<hbm>> -> memref<78x128xi32, #tpu.memory_space<hbm>>
        tpu.wait_dma2 semaphore(%run_scoped3A_86 : memref<!tpu.dma_semaphore, #tpu.memory_space<semaphore_mem>>) src(%dma_wait3A_108 : memref<78x128xi32, #tpu.memory_space<hbm>>) dst(%dma_wait3A_105 : memref<78x128xi32, #tpu.memory_space<vmem>>)
        tpu.yield
      }) : () -> ()
    } else {
    }
    %ne3A = arith.constant 0 : i32
    %ne3A_19 = arith.cmpi ne, %arg0, %ne3A : i32
    %convert_element_type3A_20 = arith.extui %ne3A_19 : i1 to i32
    %cond3A_21 = arith.constant 0 : i32
    %cond3A_22 = arith.cmpi ne, %convert_element_type3A_20, %cond3A_21 : i32
    scf.if %cond3A_22 {
      %run_scoped3A = arith.constant 0 : i32
      "tpu.region"() ({
        %run_scoped3A_86 = tpu.sem_alloc : memref<!tpu.dma_semaphore, #tpu.memory_space<semaphore_mem>>
        %dma_start3A = arith.constant 0 : i32
        %dma_start3A_87 = arith.constant 0 : i32
        %dma_start3A_88 = tpu.memref_slice %arg7[%dma_start3A, %dma_start3A_87] : memref<79x128xi32, #tpu.memory_space<vmem>> -> memref<78x128xi32, #tpu.memory_space<vmem>>
        %dma_start3A_89 = arith.constant 0 : i32
        %dma_start3A_90 = tpu.memref_slice %arg3[%run_scoped3A, %select_n3A, %dma_start3A_89] : memref<2x2500x128xi32, #tpu.memory_space<hbm>> -> memref<1x78x128xi32, #tpu.memory_space<hbm>>
        %dma_start3A_91 = tpu.memref_squeeze %dma_start3A_90 : memref<1x78x128xi32, #tpu.memory_space<hbm>> -> memref<78x128xi32, #tpu.memory_space<hbm>>
        %dma_start3A_92 = arith.constant 0 : i32
        %dma_start3A_93 = arith.constant 0 : i32
        %dma_start3A_94 = tpu.memref_slice %arg7[%dma_start3A_92, %dma_start3A_93] : memref<79x128xi32, #tpu.memory_space<vmem>> -> memref<78x128xi32, #tpu.memory_space<vmem>>
        %dma_start3A_95 = arith.constant 0 : i32
        %dma_start3A_96 = tpu.memref_slice %arg3[%run_scoped3A, %select_n3A, %dma_start3A_95] : memref<2x2500x128xi32, #tpu.memory_space<hbm>> -> memref<1x78x128xi32, #tpu.memory_space<hbm>>
        %dma_start3A_97 = tpu.memref_squeeze %dma_start3A_96 : memref<1x78x128xi32, #tpu.memory_space<hbm>> -> memref<78x128xi32, #tpu.memory_space<hbm>>
        tpu.enqueue_dma source(%dma_start3A_97 : memref<78x128xi32, #tpu.memory_space<hbm>>) target(%dma_start3A_94 : memref<78x128xi32, #tpu.memory_space<vmem>>) target_semaphore(%run_scoped3A_86 : memref<!tpu.dma_semaphore, #tpu.memory_space<semaphore_mem>>)
        %dma_wait3A = arith.constant 0 : i32
        %dma_wait3A_98 = arith.constant 0 : i32
        %dma_wait3A_99 = tpu.memref_slice %arg7[%dma_wait3A, %dma_wait3A_98] : memref<79x128xi32, #tpu.memory_space<vmem>> -> memref<78x128xi32, #tpu.memory_space<vmem>>
        %dma_wait3A_100 = arith.constant 0 : i32
        %dma_wait3A_101 = tpu.memref_slice %arg3[%run_scoped3A, %select_n3A, %dma_wait3A_100] : memref<2x2500x128xi32, #tpu.memory_space<hbm>> -> memref<1x78x128xi32, #tpu.memory_space<hbm>>
        %dma_wait3A_102 = tpu.memref_squeeze %dma_wait3A_101 : memref<1x78x128xi32, #tpu.memory_space<hbm>> -> memref<78x128xi32, #tpu.memory_space<hbm>>
        %dma_wait3A_103 = arith.constant 0 : i32
        %dma_wait3A_104 = arith.constant 0 : i32
        %dma_wait3A_105 = tpu.memref_slice %arg7[%dma_wait3A_103, %dma_wait3A_104] : memref<79x128xi32, #tpu.memory_space<vmem>> -> memref<78x128xi32, #tpu.memory_space<vmem>>
        %dma_wait3A_106 = arith.constant 0 : i32
        %dma_wait3A_107 = tpu.memref_slice %arg3[%run_scoped3A, %select_n3A, %dma_wait3A_106] : memref<2x2500x128xi32, #tpu.memory_space<hbm>> -> memref<1x78x128xi32, #tpu.memory_space<hbm>>
        %dma_wait3A_108 = tpu.memref_squeeze %dma_wait3A_107 : memref<1x78x128xi32, #tpu.memory_space<hbm>> -> memref<78x128xi32, #tpu.memory_space<hbm>>
        tpu.wait_dma2 semaphore(%run_scoped3A_86 : memref<!tpu.dma_semaphore, #tpu.memory_space<semaphore_mem>>) src(%dma_wait3A_108 : memref<78x128xi32, #tpu.memory_space<hbm>>) dst(%dma_wait3A_105 : memref<78x128xi32, #tpu.memory_space<vmem>>)
        tpu.yield
      }) : () -> ()
      %run_scoped3A_85 = arith.constant 1 : i32
      "tpu.region"() ({
        %run_scoped3A_86 = tpu.sem_alloc : memref<!tpu.dma_semaphore, #tpu.memory_space<semaphore_mem>>
        %dma_start3A = arith.constant 0 : i32
        %dma_start3A_87 = arith.constant 0 : i32
        %dma_start3A_88 = tpu.memref_slice %arg8[%dma_start3A, %dma_start3A_87] : memref<79x128xi32, #tpu.memory_space<vmem>> -> memref<78x128xi32, #tpu.memory_space<vmem>>
        %dma_start3A_89 = arith.constant 0 : i32
        %dma_start3A_90 = tpu.memref_slice %arg3[%run_scoped3A_85, %select_n3A, %dma_start3A_89] : memref<2x2500x128xi32, #tpu.memory_space<hbm>> -> memref<1x78x128xi32, #tpu.memory_space<hbm>>
        %dma_start3A_91 = tpu.memref_squeeze %dma_start3A_90 : memref<1x78x128xi32, #tpu.memory_space<hbm>> -> memref<78x128xi32, #tpu.memory_space<hbm>>
        %dma_start3A_92 = arith.constant 0 : i32
        %dma_start3A_93 = arith.constant 0 : i32
        %dma_start3A_94 = tpu.memref_slice %arg8[%dma_start3A_92, %dma_start3A_93] : memref<79x128xi32, #tpu.memory_space<vmem>> -> memref<78x128xi32, #tpu.memory_space<vmem>>
        %dma_start3A_95 = arith.constant 0 : i32
        %dma_start3A_96 = tpu.memref_slice %arg3[%run_scoped3A_85, %select_n3A, %dma_start3A_95] : memref<2x2500x128xi32, #tpu.memory_space<hbm>> -> memref<1x78x128xi32, #tpu.memory_space<hbm>>
        %dma_start3A_97 = tpu.memref_squeeze %dma_start3A_96 : memref<1x78x128xi32, #tpu.memory_space<hbm>> -> memref<78x128xi32, #tpu.memory_space<hbm>>
        tpu.enqueue_dma source(%dma_start3A_97 : memref<78x128xi32, #tpu.memory_space<hbm>>) target(%dma_start3A_94 : memref<78x128xi32, #tpu.memory_space<vmem>>) target_semaphore(%run_scoped3A_86 : memref<!tpu.dma_semaphore, #tpu.memory_space<semaphore_mem>>)
        %dma_wait3A = arith.constant 0 : i32
        %dma_wait3A_98 = arith.constant 0 : i32
        %dma_wait3A_99 = tpu.memref_slice %arg8[%dma_wait3A, %dma_wait3A_98] : memref<79x128xi32, #tpu.memory_space<vmem>> -> memref<78x128xi32, #tpu.memory_space<vmem>>
        %dma_wait3A_100 = arith.constant 0 : i32
        %dma_wait3A_101 = tpu.memref_slice %arg3[%run_scoped3A_85, %select_n3A, %dma_wait3A_100] : memref<2x2500x128xi32, #tpu.memory_space<hbm>> -> memref<1x78x128xi32, #tpu.memory_space<hbm>>
        %dma_wait3A_102 = tpu.memref_squeeze %dma_wait3A_101 : memref<1x78x128xi32, #tpu.memory_space<hbm>> -> memref<78x128xi32, #tpu.memory_space<hbm>>
        %dma_wait3A_103 = arith.constant 0 : i32
        %dma_wait3A_104 = arith.constant 0 : i32
        %dma_wait3A_105 = tpu.memref_slice %arg8[%dma_wait3A_103, %dma_wait3A_104] : memref<79x128xi32, #tpu.memory_space<vmem>> -> memref<78x128xi32, #tpu.memory_space<vmem>>
        %dma_wait3A_106 = arith.constant 0 : i32
        %dma_wait3A_107 = tpu.memref_slice %arg3[%run_scoped3A_85, %select_n3A, %dma_wait3A_106] : memref<2x2500x128xi32, #tpu.memory_space<hbm>> -> memref<1x78x128xi32, #tpu.memory_space<hbm>>
        %dma_wait3A_108 = tpu.memref_squeeze %dma_wait3A_107 : memref<1x78x128xi32, #tpu.memory_space<hbm>> -> memref<78x128xi32, #tpu.memory_space<hbm>>
        tpu.wait_dma2 semaphore(%run_scoped3A_86 : memref<!tpu.dma_semaphore, #tpu.memory_space<semaphore_mem>>) src(%dma_wait3A_108 : memref<78x128xi32, #tpu.memory_space<hbm>>) dst(%dma_wait3A_105 : memref<78x128xi32, #tpu.memory_space<vmem>>)
        tpu.yield
      }) : () -> ()
    } else {
    }
    %ne3A_23 = arith.constant 0 : i32
    %ne3A_24 = arith.cmpi ne, %arg0, %ne3A_23 : i32
    %lt3A_25 = arith.constant 4 : i32
    %lt3A_26 = arith.cmpi slt, %arg1, %lt3A_25 : i32
    %and3A = arith.andi %ne3A_24, %lt3A_26 : i1
    %convert_element_type3A_27 = arith.extui %and3A : i1 to i32
    %cond3A_28 = arith.constant 0 : i32
    %cond3A_29 = arith.cmpi ne, %convert_element_type3A_27, %cond3A_28 : i32
    scf.if %cond3A_29 {
      %add3A_85 = arith.constant 78 : i32
      %add3A_86 = arith.addi %select_n3A, %add3A_85 : i32
      %run_scoped3A = arith.constant 0 : i32
      "tpu.region"() ({
        %run_scoped3A_90 = tpu.sem_alloc : memref<!tpu.dma_semaphore, #tpu.memory_space<semaphore_mem>>
        %dma_start3A = arith.constant 78 : i32
        %dma_start3A_91 = arith.constant 0 : i32
        %dma_start3A_92 = tpu.memref_slice %arg7[%dma_start3A, %dma_start3A_91] : memref<79x128xi32, #tpu.memory_space<vmem>> -> memref<1x128xi32, #tpu.memory_space<vmem>>
        %dma_start3A_93 = arith.constant 0 : i32
        %dma_start3A_94 = tpu.memref_slice %arg3[%run_scoped3A, %add3A_86, %dma_start3A_93] : memref<2x2500x128xi32, #tpu.memory_space<hbm>> -> memref<1x1x128xi32, #tpu.memory_space<hbm>>
        %dma_start3A_95 = tpu.memref_squeeze %dma_start3A_94 : memref<1x1x128xi32, #tpu.memory_space<hbm>> -> memref<1x128xi32, #tpu.memory_space<hbm>>
        %dma_start3A_96 = arith.constant 78 : i32
        %dma_start3A_97 = arith.constant 0 : i32
        %dma_start3A_98 = tpu.memref_slice %arg7[%dma_start3A_96, %dma_start3A_97] : memref<79x128xi32, #tpu.memory_space<vmem>> -> memref<1x128xi32, #tpu.memory_space<vmem>>
        %dma_start3A_99 = arith.constant 0 : i32
        %dma_start3A_100 = tpu.memref_slice %arg3[%run_scoped3A, %add3A_86, %dma_start3A_99] : memref<2x2500x128xi32, #tpu.memory_space<hbm>> -> memref<1x1x128xi32, #tpu.memory_space<hbm>>
        %dma_start3A_101 = tpu.memref_squeeze %dma_start3A_100 : memref<1x1x128xi32, #tpu.memory_space<hbm>> -> memref<1x128xi32, #tpu.memory_space<hbm>>
        tpu.enqueue_dma source(%dma_start3A_101 : memref<1x128xi32, #tpu.memory_space<hbm>>) target(%dma_start3A_98 : memref<1x128xi32, #tpu.memory_space<vmem>>) target_semaphore(%run_scoped3A_90 : memref<!tpu.dma_semaphore, #tpu.memory_space<semaphore_mem>>)
        %dma_wait3A = arith.constant 78 : i32
        %dma_wait3A_102 = arith.constant 0 : i32
        %dma_wait3A_103 = tpu.memref_slice %arg7[%dma_wait3A, %dma_wait3A_102] : memref<79x128xi32, #tpu.memory_space<vmem>> -> memref<1x128xi32, #tpu.memory_space<vmem>>
        %dma_wait3A_104 = arith.constant 0 : i32
        %dma_wait3A_105 = tpu.memref_slice %arg3[%run_scoped3A, %add3A_86, %dma_wait3A_104] : memref<2x2500x128xi32, #tpu.memory_space<hbm>> -> memref<1x1x128xi32, #tpu.memory_space<hbm>>
        %dma_wait3A_106 = tpu.memref_squeeze %dma_wait3A_105 : memref<1x1x128xi32, #tpu.memory_space<hbm>> -> memref<1x128xi32, #tpu.memory_space<hbm>>
        %dma_wait3A_107 = arith.constant 78 : i32
        %dma_wait3A_108 = arith.constant 0 : i32
        %dma_wait3A_109 = tpu.memref_slice %arg7[%dma_wait3A_107, %dma_wait3A_108] : memref<79x128xi32, #tpu.memory_space<vmem>> -> memref<1x128xi32, #tpu.memory_space<vmem>>
        %dma_wait3A_110 = arith.constant 0 : i32
        %dma_wait3A_111 = tpu.memref_slice %arg3[%run_scoped3A, %add3A_86, %dma_wait3A_110] : memref<2x2500x128xi32, #tpu.memory_space<hbm>> -> memref<1x1x128xi32, #tpu.memory_space<hbm>>
        %dma_wait3A_112 = tpu.memref_squeeze %dma_wait3A_111 : memref<1x1x128xi32, #tpu.memory_space<hbm>> -> memref<1x128xi32, #tpu.memory_space<hbm>>
        tpu.wait_dma2 semaphore(%run_scoped3A_90 : memref<!tpu.dma_semaphore, #tpu.memory_space<semaphore_mem>>) src(%dma_wait3A_112 : memref<1x128xi32, #tpu.memory_space<hbm>>) dst(%dma_wait3A_109 : memref<1x128xi32, #tpu.memory_space<vmem>>)
        tpu.yield
      }) : () -> ()
      %add3A_87 = arith.constant 78 : i32
      %add3A_88 = arith.addi %select_n3A, %add3A_87 : i32
      %run_scoped3A_89 = arith.constant 1 : i32
      "tpu.region"() ({
        %run_scoped3A_90 = tpu.sem_alloc : memref<!tpu.dma_semaphore, #tpu.memory_space<semaphore_mem>>
        %dma_start3A = arith.constant 78 : i32
        %dma_start3A_91 = arith.constant 0 : i32
        %dma_start3A_92 = tpu.memref_slice %arg8[%dma_start3A, %dma_start3A_91] : memref<79x128xi32, #tpu.memory_space<vmem>> -> memref<1x128xi32, #tpu.memory_space<vmem>>
        %dma_start3A_93 = arith.constant 0 : i32
        %dma_start3A_94 = tpu.memref_slice %arg3[%run_scoped3A_89, %add3A_88, %dma_start3A_93] : memref<2x2500x128xi32, #tpu.memory_space<hbm>> -> memref<1x1x128xi32, #tpu.memory_space<hbm>>
        %dma_start3A_95 = tpu.memref_squeeze %dma_start3A_94 : memref<1x1x128xi32, #tpu.memory_space<hbm>> -> memref<1x128xi32, #tpu.memory_space<hbm>>
        %dma_start3A_96 = arith.constant 78 : i32
        %dma_start3A_97 = arith.constant 0 : i32
        %dma_start3A_98 = tpu.memref_slice %arg8[%dma_start3A_96, %dma_start3A_97] : memref<79x128xi32, #tpu.memory_space<vmem>> -> memref<1x128xi32, #tpu.memory_space<vmem>>
        %dma_start3A_99 = arith.constant 0 : i32
        %dma_start3A_100 = tpu.memref_slice %arg3[%run_scoped3A_89, %add3A_88, %dma_start3A_99] : memref<2x2500x128xi32, #tpu.memory_space<hbm>> -> memref<1x1x128xi32, #tpu.memory_space<hbm>>
        %dma_start3A_101 = tpu.memref_squeeze %dma_start3A_100 : memref<1x1x128xi32, #tpu.memory_space<hbm>> -> memref<1x128xi32, #tpu.memory_space<hbm>>
        tpu.enqueue_dma source(%dma_start3A_101 : memref<1x128xi32, #tpu.memory_space<hbm>>) target(%dma_start3A_98 : memref<1x128xi32, #tpu.memory_space<vmem>>) target_semaphore(%run_scoped3A_90 : memref<!tpu.dma_semaphore, #tpu.memory_space<semaphore_mem>>)
        %dma_wait3A = arith.constant 78 : i32
        %dma_wait3A_102 = arith.constant 0 : i32
        %dma_wait3A_103 = tpu.memref_slice %arg8[%dma_wait3A, %dma_wait3A_102] : memref<79x128xi32, #tpu.memory_space<vmem>> -> memref<1x128xi32, #tpu.memory_space<vmem>>
        %dma_wait3A_104 = arith.constant 0 : i32
        %dma_wait3A_105 = tpu.memref_slice %arg3[%run_scoped3A_89, %add3A_88, %dma_wait3A_104] : memref<2x2500x128xi32, #tpu.memory_space<hbm>> -> memref<1x1x128xi32, #tpu.memory_space<hbm>>
        %dma_wait3A_106 = tpu.memref_squeeze %dma_wait3A_105 : memref<1x1x128xi32, #tpu.memory_space<hbm>> -> memref<1x128xi32, #tpu.memory_space<hbm>>
        %dma_wait3A_107 = arith.constant 78 : i32
        %dma_wait3A_108 = arith.constant 0 : i32
        %dma_wait3A_109 = tpu.memref_slice %arg8[%dma_wait3A_107, %dma_wait3A_108] : memref<79x128xi32, #tpu.memory_space<vmem>> -> memref<1x128xi32, #tpu.memory_space<vmem>>
        %dma_wait3A_110 = arith.constant 0 : i32
        %dma_wait3A_111 = tpu.memref_slice %arg3[%run_scoped3A_89, %add3A_88, %dma_wait3A_110] : memref<2x2500x128xi32, #tpu.memory_space<hbm>> -> memref<1x1x128xi32, #tpu.memory_space<hbm>>
        %dma_wait3A_112 = tpu.memref_squeeze %dma_wait3A_111 : memref<1x1x128xi32, #tpu.memory_space<hbm>> -> memref<1x128xi32, #tpu.memory_space<hbm>>
        tpu.wait_dma2 semaphore(%run_scoped3A_90 : memref<!tpu.dma_semaphore, #tpu.memory_space<semaphore_mem>>) src(%dma_wait3A_112 : memref<1x128xi32, #tpu.memory_space<hbm>>) dst(%dma_wait3A_109 : memref<1x128xi32, #tpu.memory_space<vmem>>)
        tpu.yield
      }) : () -> ()
    } else {
    }
    %barrier3A = arith.constant 0 : index
    tpu.barrier barrier_id(%barrier3A)
    %jit3A_30 = arith.constant 2 : i32
    %div3A = arith.divsi %select_n3A_14, %jit3A_30 : i32
    %sign3A = arith.constant 0 : i32
    %sign3A_31 = arith.cmpi sgt, %select_n3A_14, %sign3A : i32
    %sign3A_32 = arith.extui %sign3A_31 : i1 to i32
    %sign3A_33 = arith.constant 0 : i32
    %sign3A_34 = arith.cmpi slt, %select_n3A_14, %sign3A_33 : i32
    %sign3A_35 = arith.extui %sign3A_34 : i1 to i32
    %sign3A_36 = arith.subi %sign3A_32, %sign3A_35 : i32
    %sign3A_37 = arith.constant 0 : i32
    %sign3A_38 = arith.cmpi sgt, %jit3A_30, %sign3A_37 : i32
    %sign3A_39 = arith.extui %sign3A_38 : i1 to i32
    %sign3A_40 = arith.constant 0 : i32
    %sign3A_41 = arith.cmpi slt, %jit3A_30, %sign3A_40 : i32
    %sign3A_42 = arith.extui %sign3A_41 : i1 to i32
    %sign3A_43 = arith.subi %sign3A_39, %sign3A_42 : i32
    %ne3A_44 = arith.cmpi ne, %sign3A_36, %sign3A_43 : i32
    %rem3A = arith.remsi %select_n3A_14, %jit3A_30 : i32
    %ne3A_45 = arith.constant 0 : i32
    %ne3A_46 = arith.cmpi ne, %rem3A, %ne3A_45 : i32
    %and3A_47 = arith.andi %ne3A_44, %ne3A_46 : i1
    %sub3A = arith.constant 1 : i32
    %sub3A_48 = arith.subi %div3A, %sub3A : i32
    %select_n3A_49 = arith.select %and3A_47, %sub3A_48, %div3A : i32
    %gt3A = arith.constant 0 : i32
    %gt3A_50 = arith.cmpi sgt, %select_n3A_49, %gt3A : i32
    %convert_element_type3A_51 = arith.extui %gt3A_50 : i1 to i32
    %cond3A_52 = arith.constant 0 : i32
    %cond3A_53 = arith.cmpi ne, %convert_element_type3A_51, %cond3A_52 : i32
    scf.if %cond3A_53 {
      %dma_start3A = arith.constant 0 : i32
      %dma_start3A_85 = arith.constant 0 : i32
      %dma_start3A_86 = tpu.memref_slice %arg7[%dma_start3A, %dma_start3A_85] : memref<79x128xi32, #tpu.memory_space<vmem>> -> memref<1x128xi32, #tpu.memory_space<vmem>>
      %dma_start3A_87 = tpu.memref_squeeze %dma_start3A_86 : memref<1x128xi32, #tpu.memory_space<vmem>> -> memref<128xi32, #tpu.memory_space<vmem>>
      %dma_start3A_88 = arith.constant 0 : i32
      %dma_start3A_89 = arith.constant 0 : i32
      %dma_start3A_90 = tpu.memref_slice %arg2[%dma_start3A_88, %dma_start3A_89] : memref<10112x32xf32, #tpu.memory_space<hbm>> -> memref<10112x32xf32, #tpu.memory_space<hbm>>
      tpu.enqueue_indirect_dma source(%dma_start3A_90 : memref<10112x32xf32, #tpu.memory_space<hbm>>) target(%arg9 : memref<128x32xf32, #tpu.memory_space<vmem>>) offsets(%dma_start3A_87 : memref<128xi32, #tpu.memory_space<vmem>>) semaphore(%arg11 : memref<!tpu.dma_semaphore, #tpu.memory_space<semaphore_mem>>)
    } else {
    }
    %while3A = arith.constant 0 : i32
    %while3A_54 = arith.constant 0 : i32
    %while3A_55 = arith.subi %select_n3A_49, %while3A_54 : i32
    %while3A_56 = arith.addi %while3A_54, %while3A_55 : i32
    %while3A_57 = arith.constant 1 : i32
    %while3A_58 = arith.divsi %while3A_55, %while3A_57 : i32
    %while3A_59 = arith.muli %while3A_58, %while3A_57 : i32
    %while3A_60 = arith.addi %while3A_54, %while3A_59 : i32
    %while3A_61 = arith.constant 1 : i32
    scf.for %while3A_85 = %while3A_54 to %while3A_60 step %while3A_61  : i32 {
      %mul3A_86 = arith.constant 2 : i32
      %mul3A_87 = arith.muli %mul3A_86, %while3A_85 : i32
      %add3A_88 = arith.constant 1 : i32
      %add3A_89 = arith.addi %mul3A_87, %add3A_88 : i32
      %dma_start3A = arith.constant 0 : i32
      %dma_start3A_90 = tpu.memref_slice %arg7[%add3A_89, %dma_start3A] : memref<79x128xi32, #tpu.memory_space<vmem>> -> memref<1x128xi32, #tpu.memory_space<vmem>>
      %dma_start3A_91 = tpu.memref_squeeze %dma_start3A_90 : memref<1x128xi32, #tpu.memory_space<vmem>> -> memref<128xi32, #tpu.memory_space<vmem>>
      %dma_start3A_92 = arith.constant 0 : i32
      %dma_start3A_93 = arith.constant 0 : i32
      %dma_start3A_94 = tpu.memref_slice %arg2[%dma_start3A_92, %dma_start3A_93] : memref<10112x32xf32, #tpu.memory_space<hbm>> -> memref<10112x32xf32, #tpu.memory_space<hbm>>
      tpu.enqueue_indirect_dma source(%dma_start3A_94 : memref<10112x32xf32, #tpu.memory_space<hbm>>) target(%arg10 : memref<128x32xf32, #tpu.memory_space<vmem>>) offsets(%dma_start3A_91 : memref<128xi32, #tpu.memory_space<vmem>>) semaphore(%arg12 : memref<!tpu.dma_semaphore, #tpu.memory_space<semaphore_mem>>)
      %dma_wait3A = arith.constant 0 : i32
      %dma_wait3A_95 = tpu.memref_slice %arg7[%mul3A_87, %dma_wait3A] : memref<79x128xi32, #tpu.memory_space<vmem>> -> memref<1x128xi32, #tpu.memory_space<vmem>>
      %dma_wait3A_96 = tpu.memref_squeeze %dma_wait3A_95 : memref<1x128xi32, #tpu.memory_space<vmem>> -> memref<128xi32, #tpu.memory_space<vmem>>
      %dma_wait3A_97 = arith.constant 0 : i32
      %dma_wait3A_98 = arith.constant 0 : i32
      %dma_wait3A_99 = tpu.memref_slice %arg2[%dma_wait3A_97, %dma_wait3A_98] : memref<10112x32xf32, #tpu.memory_space<hbm>> -> memref<10112x32xf32, #tpu.memory_space<hbm>>
      tpu.wait_indirect_dma semaphore(%arg11 : memref<!tpu.dma_semaphore, #tpu.memory_space<semaphore_mem>>) src(%dma_wait3A_99 : memref<10112x32xf32, #tpu.memory_space<hbm>>) dst(%arg9 : memref<128x32xf32, #tpu.memory_space<vmem>>)
      %dma_start3A_100 = arith.constant 0 : i32
      %dma_start3A_101 = tpu.memref_slice %arg8[%mul3A_87, %dma_start3A_100] : memref<79x128xi32, #tpu.memory_space<vmem>> -> memref<1x128xi32, #tpu.memory_space<vmem>>
      %dma_start3A_102 = tpu.memref_squeeze %dma_start3A_101 : memref<1x128xi32, #tpu.memory_space<vmem>> -> memref<128xi32, #tpu.memory_space<vmem>>
      %dma_start3A_103 = arith.constant 0 : i32
      %dma_start3A_104 = arith.constant 0 : i32
      %dma_start3A_105 = tpu.memref_slice %arg6[%dma_start3A_103, %dma_start3A_104] : memref<10112x32xf32, #tpu.memory_space<vmem_shared>> -> memref<10112x32xf32, #tpu.memory_space<vmem_shared>>
      tpu.enqueue_indirect_dma source(%arg9 : memref<128x32xf32, #tpu.memory_space<vmem>>) target(%dma_start3A_105 : memref<10112x32xf32, #tpu.memory_space<vmem_shared>>) offsets(%dma_start3A_102 : memref<128xi32, #tpu.memory_space<vmem>>) semaphore(%arg13 : memref<!tpu.dma_semaphore, #tpu.memory_space<semaphore_mem>>) {add = true}
      %dma_wait3A_106 = arith.constant 0 : i32
      %dma_wait3A_107 = tpu.memref_slice %arg8[%mul3A_87, %dma_wait3A_106] : memref<79x128xi32, #tpu.memory_space<vmem>> -> memref<1x128xi32, #tpu.memory_space<vmem>>
      %dma_wait3A_108 = tpu.memref_squeeze %dma_wait3A_107 : memref<1x128xi32, #tpu.memory_space<vmem>> -> memref<128xi32, #tpu.memory_space<vmem>>
      %dma_wait3A_109 = arith.constant 0 : i32
      %dma_wait3A_110 = arith.constant 0 : i32
      %dma_wait3A_111 = tpu.memref_slice %arg6[%dma_wait3A_109, %dma_wait3A_110] : memref<10112x32xf32, #tpu.memory_space<vmem_shared>> -> memref<10112x32xf32, #tpu.memory_space<vmem_shared>>
      tpu.wait_indirect_dma semaphore(%arg13 : memref<!tpu.dma_semaphore, #tpu.memory_space<semaphore_mem>>) src(%arg9 : memref<128x32xf32, #tpu.memory_space<vmem>>) dst(%dma_wait3A_111 : memref<10112x32xf32, #tpu.memory_space<vmem_shared>>)
      %add3A_112 = arith.constant 1 : i32
      %add3A_113 = arith.addi %while3A_85, %add3A_112 : i32
      %lt3A_114 = arith.cmpi slt, %add3A_113, %select_n3A_49 : i32
      %convert_element_type3A_115 = arith.extui %lt3A_114 : i1 to i32
      %cond3A_116 = arith.constant 0 : i32
      %cond3A_117 = arith.cmpi ne, %convert_element_type3A_115, %cond3A_116 : i32
      scf.if %cond3A_117 {
        %add3A_142 = arith.constant 2 : i32
        %add3A_143 = arith.addi %mul3A_87, %add3A_142 : i32
        %dma_start3A_144 = arith.constant 0 : i32
        %dma_start3A_145 = tpu.memref_slice %arg7[%add3A_143, %dma_start3A_144] : memref<79x128xi32, #tpu.memory_space<vmem>> -> memref<1x128xi32, #tpu.memory_space<vmem>>
        %dma_start3A_146 = tpu.memref_squeeze %dma_start3A_145 : memref<1x128xi32, #tpu.memory_space<vmem>> -> memref<128xi32, #tpu.memory_space<vmem>>
        %dma_start3A_147 = arith.constant 0 : i32
        %dma_start3A_148 = arith.constant 0 : i32
        %dma_start3A_149 = tpu.memref_slice %arg2[%dma_start3A_147, %dma_start3A_148] : memref<10112x32xf32, #tpu.memory_space<hbm>> -> memref<10112x32xf32, #tpu.memory_space<hbm>>
        tpu.enqueue_indirect_dma source(%dma_start3A_149 : memref<10112x32xf32, #tpu.memory_space<hbm>>) target(%arg9 : memref<128x32xf32, #tpu.memory_space<vmem>>) offsets(%dma_start3A_146 : memref<128xi32, #tpu.memory_space<vmem>>) semaphore(%arg11 : memref<!tpu.dma_semaphore, #tpu.memory_space<semaphore_mem>>)
      } else {
      }
      %add3A_118 = arith.constant 1 : i32
      %add3A_119 = arith.addi %mul3A_87, %add3A_118 : i32
      %dma_wait3A_120 = arith.constant 0 : i32
      %dma_wait3A_121 = tpu.memref_slice %arg7[%add3A_119, %dma_wait3A_120] : memref<79x128xi32, #tpu.memory_space<vmem>> -> memref<1x128xi32, #tpu.memory_space<vmem>>
      %dma_wait3A_122 = tpu.memref_squeeze %dma_wait3A_121 : memref<1x128xi32, #tpu.memory_space<vmem>> -> memref<128xi32, #tpu.memory_space<vmem>>
      %dma_wait3A_123 = arith.constant 0 : i32
      %dma_wait3A_124 = arith.constant 0 : i32
      %dma_wait3A_125 = tpu.memref_slice %arg2[%dma_wait3A_123, %dma_wait3A_124] : memref<10112x32xf32, #tpu.memory_space<hbm>> -> memref<10112x32xf32, #tpu.memory_space<hbm>>
      tpu.wait_indirect_dma semaphore(%arg12 : memref<!tpu.dma_semaphore, #tpu.memory_space<semaphore_mem>>) src(%dma_wait3A_125 : memref<10112x32xf32, #tpu.memory_space<hbm>>) dst(%arg10 : memref<128x32xf32, #tpu.memory_space<vmem>>)
      %add3A_126 = arith.constant 1 : i32
      %add3A_127 = arith.addi %mul3A_87, %add3A_126 : i32
      %dma_start3A_128 = arith.constant 0 : i32
      %dma_start3A_129 = tpu.memref_slice %arg8[%add3A_127, %dma_start3A_128] : memref<79x128xi32, #tpu.memory_space<vmem>> -> memref<1x128xi32, #tpu.memory_space<vmem>>
      %dma_start3A_130 = tpu.memref_squeeze %dma_start3A_129 : memref<1x128xi32, #tpu.memory_space<vmem>> -> memref<128xi32, #tpu.memory_space<vmem>>
      %dma_start3A_131 = arith.constant 0 : i32
      %dma_start3A_132 = arith.constant 0 : i32
      %dma_start3A_133 = tpu.memref_slice %arg6[%dma_start3A_131, %dma_start3A_132] : memref<10112x32xf32, #tpu.memory_space<vmem_shared>> -> memref<10112x32xf32, #tpu.memory_space<vmem_shared>>
      tpu.enqueue_indirect_dma source(%arg10 : memref<128x32xf32, #tpu.memory_space<vmem>>) target(%dma_start3A_133 : memref<10112x32xf32, #tpu.memory_space<vmem_shared>>) offsets(%dma_start3A_130 : memref<128xi32, #tpu.memory_space<vmem>>) semaphore(%arg14 : memref<!tpu.dma_semaphore, #tpu.memory_space<semaphore_mem>>) {add = true}
      %add3A_134 = arith.constant 1 : i32
      %add3A_135 = arith.addi %mul3A_87, %add3A_134 : i32
      %dma_wait3A_136 = arith.constant 0 : i32
      %dma_wait3A_137 = tpu.memref_slice %arg8[%add3A_135, %dma_wait3A_136] : memref<79x128xi32, #tpu.memory_space<vmem>> -> memref<1x128xi32, #tpu.memory_space<vmem>>
      %dma_wait3A_138 = tpu.memref_squeeze %dma_wait3A_137 : memref<1x128xi32, #tpu.memory_space<vmem>> -> memref<128xi32, #tpu.memory_space<vmem>>
      %dma_wait3A_139 = arith.constant 0 : i32
      %dma_wait3A_140 = arith.constant 0 : i32
      %dma_wait3A_141 = tpu.memref_slice %arg6[%dma_wait3A_139, %dma_wait3A_140] : memref<10112x32xf32, #tpu.memory_space<vmem_shared>> -> memref<10112x32xf32, #tpu.memory_space<vmem_shared>>
      tpu.wait_indirect_dma semaphore(%arg14 : memref<!tpu.dma_semaphore, #tpu.memory_space<semaphore_mem>>) src(%arg10 : memref<128x32xf32, #tpu.memory_space<vmem>>) dst(%dma_wait3A_141 : memref<10112x32xf32, #tpu.memory_space<vmem_shared>>)
    }
    %while3A_62 = arith.constant 1 : i32
    scf.for %while3A_85 = %while3A_60 to %while3A_56 step %while3A_62  : i32 {
      %mul3A_86 = arith.constant 2 : i32
      %mul3A_87 = arith.muli %mul3A_86, %while3A_85 : i32
      %add3A_88 = arith.constant 1 : i32
      %add3A_89 = arith.addi %mul3A_87, %add3A_88 : i32
      %dma_start3A = arith.constant 0 : i32
      %dma_start3A_90 = tpu.memref_slice %arg7[%add3A_89, %dma_start3A] : memref<79x128xi32, #tpu.memory_space<vmem>> -> memref<1x128xi32, #tpu.memory_space<vmem>>
      %dma_start3A_91 = tpu.memref_squeeze %dma_start3A_90 : memref<1x128xi32, #tpu.memory_space<vmem>> -> memref<128xi32, #tpu.memory_space<vmem>>
      %dma_start3A_92 = arith.constant 0 : i32
      %dma_start3A_93 = arith.constant 0 : i32
      %dma_start3A_94 = tpu.memref_slice %arg2[%dma_start3A_92, %dma_start3A_93] : memref<10112x32xf32, #tpu.memory_space<hbm>> -> memref<10112x32xf32, #tpu.memory_space<hbm>>
      tpu.enqueue_indirect_dma source(%dma_start3A_94 : memref<10112x32xf32, #tpu.memory_space<hbm>>) target(%arg10 : memref<128x32xf32, #tpu.memory_space<vmem>>) offsets(%dma_start3A_91 : memref<128xi32, #tpu.memory_space<vmem>>) semaphore(%arg12 : memref<!tpu.dma_semaphore, #tpu.memory_space<semaphore_mem>>)
      %dma_wait3A = arith.constant 0 : i32
      %dma_wait3A_95 = tpu.memref_slice %arg7[%mul3A_87, %dma_wait3A] : memref<79x128xi32, #tpu.memory_space<vmem>> -> memref<1x128xi32, #tpu.memory_space<vmem>>
      %dma_wait3A_96 = tpu.memref_squeeze %dma_wait3A_95 : memref<1x128xi32, #tpu.memory_space<vmem>> -> memref<128xi32, #tpu.memory_space<vmem>>
      %dma_wait3A_97 = arith.constant 0 : i32
      %dma_wait3A_98 = arith.constant 0 : i32
      %dma_wait3A_99 = tpu.memref_slice %arg2[%dma_wait3A_97, %dma_wait3A_98] : memref<10112x32xf32, #tpu.memory_space<hbm>> -> memref<10112x32xf32, #tpu.memory_space<hbm>>
      tpu.wait_indirect_dma semaphore(%arg11 : memref<!tpu.dma_semaphore, #tpu.memory_space<semaphore_mem>>) src(%dma_wait3A_99 : memref<10112x32xf32, #tpu.memory_space<hbm>>) dst(%arg9 : memref<128x32xf32, #tpu.memory_space<vmem>>)
      %dma_start3A_100 = arith.constant 0 : i32
      %dma_start3A_101 = tpu.memref_slice %arg8[%mul3A_87, %dma_start3A_100] : memref<79x128xi32, #tpu.memory_space<vmem>> -> memref<1x128xi32, #tpu.memory_space<vmem>>
      %dma_start3A_102 = tpu.memref_squeeze %dma_start3A_101 : memref<1x128xi32, #tpu.memory_space<vmem>> -> memref<128xi32, #tpu.memory_space<vmem>>
      %dma_start3A_103 = arith.constant 0 : i32
      %dma_start3A_104 = arith.constant 0 : i32
      %dma_start3A_105 = tpu.memref_slice %arg6[%dma_start3A_103, %dma_start3A_104] : memref<10112x32xf32, #tpu.memory_space<vmem_shared>> -> memref<10112x32xf32, #tpu.memory_space<vmem_shared>>
      tpu.enqueue_indirect_dma source(%arg9 : memref<128x32xf32, #tpu.memory_space<vmem>>) target(%dma_start3A_105 : memref<10112x32xf32, #tpu.memory_space<vmem_shared>>) offsets(%dma_start3A_102 : memref<128xi32, #tpu.memory_space<vmem>>) semaphore(%arg13 : memref<!tpu.dma_semaphore, #tpu.memory_space<semaphore_mem>>) {add = true}
      %dma_wait3A_106 = arith.constant 0 : i32
      %dma_wait3A_107 = tpu.memref_slice %arg8[%mul3A_87, %dma_wait3A_106] : memref<79x128xi32, #tpu.memory_space<vmem>> -> memref<1x128xi32, #tpu.memory_space<vmem>>
      %dma_wait3A_108 = tpu.memref_squeeze %dma_wait3A_107 : memref<1x128xi32, #tpu.memory_space<vmem>> -> memref<128xi32, #tpu.memory_space<vmem>>
      %dma_wait3A_109 = arith.constant 0 : i32
      %dma_wait3A_110 = arith.constant 0 : i32
      %dma_wait3A_111 = tpu.memref_slice %arg6[%dma_wait3A_109, %dma_wait3A_110] : memref<10112x32xf32, #tpu.memory_space<vmem_shared>> -> memref<10112x32xf32, #tpu.memory_space<vmem_shared>>
      tpu.wait_indirect_dma semaphore(%arg13 : memref<!tpu.dma_semaphore, #tpu.memory_space<semaphore_mem>>) src(%arg9 : memref<128x32xf32, #tpu.memory_space<vmem>>) dst(%dma_wait3A_111 : memref<10112x32xf32, #tpu.memory_space<vmem_shared>>)
      %add3A_112 = arith.constant 1 : i32
      %add3A_113 = arith.addi %while3A_85, %add3A_112 : i32
      %lt3A_114 = arith.cmpi slt, %add3A_113, %select_n3A_49 : i32
      %convert_element_type3A_115 = arith.extui %lt3A_114 : i1 to i32
      %cond3A_116 = arith.constant 0 : i32
      %cond3A_117 = arith.cmpi ne, %convert_element_type3A_115, %cond3A_116 : i32
      scf.if %cond3A_117 {
        %add3A_142 = arith.constant 2 : i32
        %add3A_143 = arith.addi %mul3A_87, %add3A_142 : i32
        %dma_start3A_144 = arith.constant 0 : i32
        %dma_start3A_145 = tpu.memref_slice %arg7[%add3A_143, %dma_start3A_144] : memref<79x128xi32, #tpu.memory_space<vmem>> -> memref<1x128xi32, #tpu.memory_space<vmem>>
        %dma_start3A_146 = tpu.memref_squeeze %dma_start3A_145 : memref<1x128xi32, #tpu.memory_space<vmem>> -> memref<128xi32, #tpu.memory_space<vmem>>
        %dma_start3A_147 = arith.constant 0 : i32
        %dma_start3A_148 = arith.constant 0 : i32
        %dma_start3A_149 = tpu.memref_slice %arg2[%dma_start3A_147, %dma_start3A_148] : memref<10112x32xf32, #tpu.memory_space<hbm>> -> memref<10112x32xf32, #tpu.memory_space<hbm>>
        tpu.enqueue_indirect_dma source(%dma_start3A_149 : memref<10112x32xf32, #tpu.memory_space<hbm>>) target(%arg9 : memref<128x32xf32, #tpu.memory_space<vmem>>) offsets(%dma_start3A_146 : memref<128xi32, #tpu.memory_space<vmem>>) semaphore(%arg11 : memref<!tpu.dma_semaphore, #tpu.memory_space<semaphore_mem>>)
      } else {
      }
      %add3A_118 = arith.constant 1 : i32
      %add3A_119 = arith.addi %mul3A_87, %add3A_118 : i32
      %dma_wait3A_120 = arith.constant 0 : i32
      %dma_wait3A_121 = tpu.memref_slice %arg7[%add3A_119, %dma_wait3A_120] : memref<79x128xi32, #tpu.memory_space<vmem>> -> memref<1x128xi32, #tpu.memory_space<vmem>>
      %dma_wait3A_122 = tpu.memref_squeeze %dma_wait3A_121 : memref<1x128xi32, #tpu.memory_space<vmem>> -> memref<128xi32, #tpu.memory_space<vmem>>
      %dma_wait3A_123 = arith.constant 0 : i32
      %dma_wait3A_124 = arith.constant 0 : i32
      %dma_wait3A_125 = tpu.memref_slice %arg2[%dma_wait3A_123, %dma_wait3A_124] : memref<10112x32xf32, #tpu.memory_space<hbm>> -> memref<10112x32xf32, #tpu.memory_space<hbm>>
      tpu.wait_indirect_dma semaphore(%arg12 : memref<!tpu.dma_semaphore, #tpu.memory_space<semaphore_mem>>) src(%dma_wait3A_125 : memref<10112x32xf32, #tpu.memory_space<hbm>>) dst(%arg10 : memref<128x32xf32, #tpu.memory_space<vmem>>)
      %add3A_126 = arith.constant 1 : i32
      %add3A_127 = arith.addi %mul3A_87, %add3A_126 : i32
      %dma_start3A_128 = arith.constant 0 : i32
      %dma_start3A_129 = tpu.memref_slice %arg8[%add3A_127, %dma_start3A_128] : memref<79x128xi32, #tpu.memory_space<vmem>> -> memref<1x128xi32, #tpu.memory_space<vmem>>
      %dma_start3A_130 = tpu.memref_squeeze %dma_start3A_129 : memref<1x128xi32, #tpu.memory_space<vmem>> -> memref<128xi32, #tpu.memory_space<vmem>>
      %dma_start3A_131 = arith.constant 0 : i32
      %dma_start3A_132 = arith.constant 0 : i32
      %dma_start3A_133 = tpu.memref_slice %arg6[%dma_start3A_131, %dma_start3A_132] : memref<10112x32xf32, #tpu.memory_space<vmem_shared>> -> memref<10112x32xf32, #tpu.memory_space<vmem_shared>>
      tpu.enqueue_indirect_dma source(%arg10 : memref<128x32xf32, #tpu.memory_space<vmem>>) target(%dma_start3A_133 : memref<10112x32xf32, #tpu.memory_space<vmem_shared>>) offsets(%dma_start3A_130 : memref<128xi32, #tpu.memory_space<vmem>>) semaphore(%arg14 : memref<!tpu.dma_semaphore, #tpu.memory_space<semaphore_mem>>) {add = true}
      %add3A_134 = arith.constant 1 : i32
      %add3A_135 = arith.addi %mul3A_87, %add3A_134 : i32
      %dma_wait3A_136 = arith.constant 0 : i32
      %dma_wait3A_137 = tpu.memref_slice %arg8[%add3A_135, %dma_wait3A_136] : memref<79x128xi32, #tpu.memory_space<vmem>> -> memref<1x128xi32, #tpu.memory_space<vmem>>
      %dma_wait3A_138 = tpu.memref_squeeze %dma_wait3A_137 : memref<1x128xi32, #tpu.memory_space<vmem>> -> memref<128xi32, #tpu.memory_space<vmem>>
      %dma_wait3A_139 = arith.constant 0 : i32
      %dma_wait3A_140 = arith.constant 0 : i32
      %dma_wait3A_141 = tpu.memref_slice %arg6[%dma_wait3A_139, %dma_wait3A_140] : memref<10112x32xf32, #tpu.memory_space<vmem_shared>> -> memref<10112x32xf32, #tpu.memory_space<vmem_shared>>
      tpu.wait_indirect_dma semaphore(%arg14 : memref<!tpu.dma_semaphore, #tpu.memory_space<semaphore_mem>>) src(%arg10 : memref<128x32xf32, #tpu.memory_space<vmem>>) dst(%dma_wait3A_141 : memref<10112x32xf32, #tpu.memory_space<vmem_shared>>)
    }
    %jit3A_63 = arith.constant 2 : i32
    %eq3A_64 = arith.constant 0 : i32
    %eq3A_65 = arith.cmpi eq, %jit3A_63, %eq3A_64 : i32
    %jit3A_66 = arith.constant 1 : i32
    %select_n3A_67 = arith.select %eq3A_65, %jit3A_66, %jit3A_63 : i32
    %rem3A_68 = arith.remsi %select_n3A_14, %select_n3A_67 : i32
    %ne3A_69 = arith.constant 0 : i32
    %ne3A_70 = arith.cmpi ne, %rem3A_68, %ne3A_69 : i32
    %lt3A_71 = arith.constant 0 : i32
    %lt3A_72 = arith.cmpi slt, %rem3A_68, %lt3A_71 : i32
    %lt3A_73 = arith.constant 0 : i32
    %lt3A_74 = arith.cmpi slt, %select_n3A_67, %lt3A_73 : i32
    %ne3A_75 = arith.xori %lt3A_72, %lt3A_74 : i1
    %and3A_76 = arith.andi %ne3A_75, %ne3A_70 : i1
    %add3A_77 = arith.addi %rem3A_68, %select_n3A_67 : i32
    %select_n3A_78 = arith.select %and3A_76, %add3A_77, %rem3A_68 : i32
    %eq3A_79 = arith.constant 1 : i32
    %eq3A_80 = arith.cmpi eq, %select_n3A_78, %eq3A_79 : i32
    %convert_element_type3A_81 = arith.extui %eq3A_80 : i1 to i32
    %cond3A_82 = arith.constant 0 : i32
    %cond3A_83 = arith.cmpi ne, %convert_element_type3A_81, %cond3A_82 : i32
    scf.if %cond3A_83 {
      %sub3A_85 = arith.constant 1 : i32
      %sub3A_86 = arith.subi %select_n3A_14, %sub3A_85 : i32
      %dma_start3A = arith.constant 0 : i32
      %dma_start3A_87 = tpu.memref_slice %arg7[%sub3A_86, %dma_start3A] : memref<79x128xi32, #tpu.memory_space<vmem>> -> memref<1x128xi32, #tpu.memory_space<vmem>>
      %dma_start3A_88 = tpu.memref_squeeze %dma_start3A_87 : memref<1x128xi32, #tpu.memory_space<vmem>> -> memref<128xi32, #tpu.memory_space<vmem>>
      %dma_start3A_89 = arith.constant 0 : i32
      %dma_start3A_90 = arith.constant 0 : i32
      %dma_start3A_91 = tpu.memref_slice %arg2[%dma_start3A_89, %dma_start3A_90] : memref<10112x32xf32, #tpu.memory_space<hbm>> -> memref<10112x32xf32, #tpu.memory_space<hbm>>
      tpu.enqueue_indirect_dma source(%dma_start3A_91 : memref<10112x32xf32, #tpu.memory_space<hbm>>) target(%arg9 : memref<128x32xf32, #tpu.memory_space<vmem>>) offsets(%dma_start3A_88 : memref<128xi32, #tpu.memory_space<vmem>>) semaphore(%arg11 : memref<!tpu.dma_semaphore, #tpu.memory_space<semaphore_mem>>)
      %dma_wait3A = arith.constant 0 : i32
      %dma_wait3A_92 = tpu.memref_slice %arg7[%sub3A_86, %dma_wait3A] : memref<79x128xi32, #tpu.memory_space<vmem>> -> memref<1x128xi32, #tpu.memory_space<vmem>>
      %dma_wait3A_93 = tpu.memref_squeeze %dma_wait3A_92 : memref<1x128xi32, #tpu.memory_space<vmem>> -> memref<128xi32, #tpu.memory_space<vmem>>
      %dma_wait3A_94 = arith.constant 0 : i32
      %dma_wait3A_95 = arith.constant 0 : i32
      %dma_wait3A_96 = tpu.memref_slice %arg2[%dma_wait3A_94, %dma_wait3A_95] : memref<10112x32xf32, #tpu.memory_space<hbm>> -> memref<10112x32xf32, #tpu.memory_space<hbm>>
      tpu.wait_indirect_dma semaphore(%arg11 : memref<!tpu.dma_semaphore, #tpu.memory_space<semaphore_mem>>) src(%dma_wait3A_96 : memref<10112x32xf32, #tpu.memory_space<hbm>>) dst(%arg9 : memref<128x32xf32, #tpu.memory_space<vmem>>)
      %dma_start3A_97 = arith.constant 0 : i32
      %dma_start3A_98 = tpu.memref_slice %arg8[%sub3A_86, %dma_start3A_97] : memref<79x128xi32, #tpu.memory_space<vmem>> -> memref<1x128xi32, #tpu.memory_space<vmem>>
      %dma_start3A_99 = tpu.memref_squeeze %dma_start3A_98 : memref<1x128xi32, #tpu.memory_space<vmem>> -> memref<128xi32, #tpu.memory_space<vmem>>
      %dma_start3A_100 = arith.constant 0 : i32
      %dma_start3A_101 = arith.constant 0 : i32
      %dma_start3A_102 = tpu.memref_slice %arg6[%dma_start3A_100, %dma_start3A_101] : memref<10112x32xf32, #tpu.memory_space<vmem_shared>> -> memref<10112x32xf32, #tpu.memory_space<vmem_shared>>
      tpu.enqueue_indirect_dma source(%arg9 : memref<128x32xf32, #tpu.memory_space<vmem>>) target(%dma_start3A_102 : memref<10112x32xf32, #tpu.memory_space<vmem_shared>>) offsets(%dma_start3A_99 : memref<128xi32, #tpu.memory_space<vmem>>) semaphore(%arg13 : memref<!tpu.dma_semaphore, #tpu.memory_space<semaphore_mem>>) {add = true}
      %dma_wait3A_103 = arith.constant 0 : i32
      %dma_wait3A_104 = tpu.memref_slice %arg8[%sub3A_86, %dma_wait3A_103] : memref<79x128xi32, #tpu.memory_space<vmem>> -> memref<1x128xi32, #tpu.memory_space<vmem>>
      %dma_wait3A_105 = tpu.memref_squeeze %dma_wait3A_104 : memref<1x128xi32, #tpu.memory_space<vmem>> -> memref<128xi32, #tpu.memory_space<vmem>>
      %dma_wait3A_106 = arith.constant 0 : i32
      %dma_wait3A_107 = arith.constant 0 : i32
      %dma_wait3A_108 = tpu.memref_slice %arg6[%dma_wait3A_106, %dma_wait3A_107] : memref<10112x32xf32, #tpu.memory_space<vmem_shared>> -> memref<10112x32xf32, #tpu.memory_space<vmem_shared>>
      tpu.wait_indirect_dma semaphore(%arg13 : memref<!tpu.dma_semaphore, #tpu.memory_space<semaphore_mem>>) src(%arg9 : memref<128x32xf32, #tpu.memory_space<vmem>>) dst(%dma_wait3A_108 : memref<10112x32xf32, #tpu.memory_space<vmem_shared>>)
    } else {
    }
    %barrier3A_84 = arith.constant 0 : index
    tpu.barrier barrier_id(%barrier3A_84)
    "tpu.region"() ({
      %run_scoped3A = tpu.sem_alloc : memref<!tpu.dma_semaphore, #tpu.memory_space<semaphore_mem>>
      %dma_start3A = arith.constant 0 : i32
      %dma_start3A_85 = tpu.memref_slice %arg5[%arg0, %mul3A_0, %dma_start3A] : memref<2x10112x32xf32, #tpu.memory_space<hbm>> -> memref<1x632x32xf32, #tpu.memory_space<hbm>>
      %dma_start3A_86 = tpu.memref_squeeze %dma_start3A_85 : memref<1x632x32xf32, #tpu.memory_space<hbm>> -> memref<632x32xf32, #tpu.memory_space<hbm>>
      %dma_start3A_87 = arith.constant 0 : i32
      %dma_start3A_88 = tpu.memref_slice %arg6[%mul3A_0, %dma_start3A_87] : memref<10112x32xf32, #tpu.memory_space<vmem_shared>> -> memref<632x32xf32, #tpu.memory_space<vmem_shared>>
      tpu.enqueue_dma source(%dma_start3A_88 : memref<632x32xf32, #tpu.memory_space<vmem_shared>>) target(%dma_start3A_86 : memref<632x32xf32, #tpu.memory_space<hbm>>) target_semaphore(%run_scoped3A : memref<!tpu.dma_semaphore, #tpu.memory_space<semaphore_mem>>)
      %dma_wait3A = arith.constant 0 : i32
      %dma_wait3A_89 = tpu.memref_slice %arg5[%arg0, %mul3A_0, %dma_wait3A] : memref<2x10112x32xf32, #tpu.memory_space<hbm>> -> memref<1x632x32xf32, #tpu.memory_space<hbm>>
      %dma_wait3A_90 = tpu.memref_squeeze %dma_wait3A_89 : memref<1x632x32xf32, #tpu.memory_space<hbm>> -> memref<632x32xf32, #tpu.memory_space<hbm>>
      %dma_wait3A_91 = arith.constant 0 : i32
      %dma_wait3A_92 = tpu.memref_slice %arg6[%mul3A_0, %dma_wait3A_91] : memref<10112x32xf32, #tpu.memory_space<vmem_shared>> -> memref<632x32xf32, #tpu.memory_space<vmem_shared>>
      tpu.wait_dma2 semaphore(%run_scoped3A : memref<!tpu.dma_semaphore, #tpu.memory_space<semaphore_mem>>) src(%dma_wait3A_92 : memref<632x32xf32, #tpu.memory_space<vmem_shared>>) dst(%dma_wait3A_90 : memref<632x32xf32, #tpu.memory_space<hbm>>)
      tpu.yield
    }) : () -> ()
    return
  }
}

module attributes {stable_mosaic.version = 14 : i64} {
  func.func @_stage_a_body(%arg0: i32, %arg1: memref<2528x128xf32, #tpu.memory_space<vmem>>, %arg2: memref<128x128xf32, #tpu.memory_space<vmem>>, %arg3: memref<2528x64xf32, #tpu.memory_space<vmem>>, %arg4: memref<2528x64xf32, #tpu.memory_space<vmem>>) attributes {dimension_semantics = [#tpu.dimension_semantics<arbitrary>], iteration_bounds = array<i64: 4>, scalar_prefetch = 0 : i64, scratch_operands = 0 : i64, tpu.core_type = #tpu.core_type<tc>, window_params = [{transform_indices = @transform_0, window_bounds = array<i64: 2528, 128>}, {pipeline_mode = #tpu.pipeline_mode<synchronous>, transform_indices = @transform_1, window_bounds = array<i64: 128, 128>}, {transform_indices = @transform_2, window_bounds = array<i64: 2528, 64>}, {transform_indices = @transform_3, window_bounds = array<i64: 2528, 64>}]} {
    %get3A = arith.constant 0 : index
    %get3A_0 = arith.constant 0 : index
    %get3A_1 = vector.load %arg1[%get3A, %get3A_0] : memref<2528x128xf32, #tpu.memory_space<vmem>>, vector<2528x128xf32>
    %get3A_2 = arith.constant 0 : index
    %get3A_3 = arith.constant 0 : index
    %get3A_4 = vector.load %arg2[%get3A_2, %get3A_3] : memref<128x128xf32, #tpu.memory_space<vmem>>, vector<128x128xf32>
    %dot_general3A = arith.constant dense<0.000000e+00> : vector<2528x128xf32>
    %dot_general3A_5 = tpu.matmul %get3A_1, %get3A_4, %dot_general3A {dimension_numbers = #tpu.dot_dimension_numbers<[1], [0], [0], [1], [0, 0, 1, 1], [], []>, transpose_lhs_hint = false} : vector<2528x128xf32>, vector<128x128xf32>, vector<2528x128xf32> -> vector<2528x128xf32>
    %slice3A = vector.extract_strided_slice %dot_general3A_5 {offsets = [0, 0], sizes = [2528, 64], strides = [1, 1]} : vector<2528x128xf32> to vector<2528x64xf32>
    %swap3A = arith.constant 0 : index
    %swap3A_6 = arith.constant 0 : index
    %swap3A_7 = vector.load %arg3[%swap3A, %swap3A_6] : memref<2528x64xf32, #tpu.memory_space<vmem>>, vector<2528x64xf32>
    tpu.vector_store %arg3[%swap3A, %swap3A_6], %slice3A {strides = array<i32>} : memref<2528x64xf32, #tpu.memory_space<vmem>>, vector<2528x64xf32>,
    %slice3A_8 = vector.extract_strided_slice %dot_general3A_5 {offsets = [0, 64], sizes = [2528, 64], strides = [1, 1]} : vector<2528x128xf32> to vector<2528x64xf32>
    %swap3A_9 = arith.constant 0 : index
    %swap3A_10 = arith.constant 0 : index
    %swap3A_11 = vector.load %arg4[%swap3A_9, %swap3A_10] : memref<2528x64xf32, #tpu.memory_space<vmem>>, vector<2528x64xf32>
    tpu.vector_store %arg4[%swap3A_9, %swap3A_10], %slice3A_8 {strides = array<i32>} : memref<2528x64xf32, #tpu.memory_space<vmem>>, vector<2528x64xf32>,
    return
  }
  func.func @transform_0(%arg0: i32) -> (i32, i32) {
    %c0_i32 = arith.constant 0 : i32
    %c0_i32_0 = arith.constant 0 : i32
    return %arg0, %c0_i32 : i32, i32
  }
  func.func @transform_1(%arg0: i32) -> (i32, i32) {
    %c0_i32 = arith.constant 0 : i32
    %c0_i32_0 = arith.constant 0 : i32
    %c0_i32_1 = arith.constant 0 : i32
    return %c0_i32, %c0_i32_0 : i32, i32
  }
  func.func @transform_2(%arg0: i32) -> (i32, i32) {
    %c0_i32 = arith.constant 0 : i32
    %c0_i32_0 = arith.constant 0 : i32
    return %arg0, %c0_i32 : i32, i32
  }
  func.func @transform_3(%arg0: i32) -> (i32, i32) {
    %c0_i32 = arith.constant 0 : i32
    %c0_i32_0 = arith.constant 0 : i32
    return %arg0, %c0_i32 : i32, i32
  }
}

module attributes {stable_mosaic.version = 14 : i64} {
  func.func @_stage_b_body(%arg0: i32, %arg1: memref<2x2528x64xf32, #tpu.memory_space<vmem>>, %arg2: memref<2x2528x16xf32, #tpu.memory_space<vmem>>, %arg3: memref<2528x64xf32, #tpu.memory_space<vmem>>, %arg4: memref<1x64xf32, #tpu.memory_space<vmem>>, %arg5: memref<64x64xf32, #tpu.memory_space<vmem>>, %arg6: memref<2528x32xf32, #tpu.memory_space<vmem>>, %arg7: memref<2528x32xf32, #tpu.memory_space<vmem>>) attributes {dimension_semantics = [#tpu.dimension_semantics<arbitrary>], iteration_bounds = array<i64: 4>, scalar_prefetch = 0 : i64, scratch_operands = 0 : i64, tpu.core_type = #tpu.core_type<tc>, window_params = [{transform_indices = @transform_0, window_bounds = array<i64: 2, 2528, 64>}, {transform_indices = @transform_1, window_bounds = array<i64: 2, 2528, 16>}, {transform_indices = @transform_2, window_bounds = array<i64: 2528, 64>}, {pipeline_mode = #tpu.pipeline_mode<synchronous>, transform_indices = @transform_3, window_bounds = array<i64: 1, 64>}, {pipeline_mode = #tpu.pipeline_mode<synchronous>, transform_indices = @transform_4, window_bounds = array<i64: 64, 64>}, {transform_indices = @transform_5, window_bounds = array<i64: 2528, 32>}, {transform_indices = @transform_6, window_bounds = array<i64: 2528, 32>}]} {
    %get3A = arith.constant 0 : index
    %get3A_0 = arith.constant 0 : index
    %get3A_1 = arith.constant 0 : index
    %get3A_2 = vector.load %arg2[%get3A, %get3A_0, %get3A_1] : memref<2x2528x16xf32, #tpu.memory_space<vmem>>, vector<1x2528x1xf32>
    %get3A_3 = vector.shape_cast %get3A_2 : vector<1x2528x1xf32> to vector<2528x1xf32>
    %get3A_4 = arith.constant 1 : index
    %get3A_5 = arith.constant 0 : index
    %get3A_6 = arith.constant 0 : index
    %get3A_7 = vector.load %arg2[%get3A_4, %get3A_5, %get3A_6] : memref<2x2528x16xf32, #tpu.memory_space<vmem>>, vector<1x2528x1xf32>
    %get3A_8 = vector.shape_cast %get3A_7 : vector<1x2528x1xf32> to vector<2528x1xf32>
    %add3A = arith.addf %get3A_3, %get3A_8 : vector<2528x1xf32>
    %max3A = arith.constant 1.000000e+00 : f32
    %max3A_9 = vector.broadcast %max3A : f32 to vector<2528x1xf32>
    %max3A_10 = arith.maximumf %add3A, %max3A_9 : vector<2528x1xf32>
    %div3A = arith.constant 1.000000e+00 : f32
    %div3A_11 = vector.broadcast %div3A : f32 to vector<2528x1xf32>
    %div3A_12 = arith.divf %div3A_11, %max3A_10 : vector<2528x1xf32>
    %get3A_13 = arith.constant 0 : index
    %get3A_14 = arith.constant 0 : index
    %get3A_15 = arith.constant 0 : index
    %get3A_16 = vector.load %arg1[%get3A_13, %get3A_14, %get3A_15] : memref<2x2528x64xf32, #tpu.memory_space<vmem>>, vector<1x2528x64xf32>
    %get3A_17 = vector.shape_cast %get3A_16 : vector<1x2528x64xf32> to vector<2528x64xf32>
    %get3A_18 = arith.constant 1 : index
    %get3A_19 = arith.constant 0 : index
    %get3A_20 = arith.constant 0 : index
    %get3A_21 = vector.load %arg1[%get3A_18, %get3A_19, %get3A_20] : memref<2x2528x64xf32, #tpu.memory_space<vmem>>, vector<1x2528x64xf32>
    %get3A_22 = vector.shape_cast %get3A_21 : vector<1x2528x64xf32> to vector<2528x64xf32>
    %add3A_23 = arith.addf %get3A_17, %get3A_22 : vector<2528x64xf32>
    %mul3A = vector.broadcast %div3A_12 : vector<2528x1xf32> to vector<2528x64xf32>
    %mul3A_24 = arith.mulf %add3A_23, %mul3A : vector<2528x64xf32>
    %get3A_25 = arith.constant 0 : index
    %get3A_26 = arith.constant 0 : index
    %get3A_27 = vector.load %arg3[%get3A_25, %get3A_26] : memref<2528x64xf32, #tpu.memory_space<vmem>>, vector<2528x64xf32>
    %add3A_28 = arith.addf %mul3A_24, %get3A_27 : vector<2528x64xf32>
    %get3A_29 = arith.constant 0 : index
    %get3A_30 = arith.constant 0 : index
    %get3A_31 = vector.load %arg4[%get3A_29, %get3A_30] : memref<1x64xf32, #tpu.memory_space<vmem>>, vector<1x64xf32>
    %add3A_32 = vector.broadcast %get3A_31 : vector<1x64xf32> to vector<2528x64xf32>
    %add3A_33 = arith.addf %add3A_28, %add3A_32 : vector<2528x64xf32>
    %max3A_34 = arith.constant 0.000000e+00 : f32
    %max3A_35 = vector.broadcast %max3A_34 : f32 to vector<2528x64xf32>
    %max3A_36 = arith.maximumf %add3A_33, %max3A_35 : vector<2528x64xf32>
    %get3A_37 = arith.constant 0 : index
    %get3A_38 = arith.constant 0 : index
    %get3A_39 = vector.load %arg5[%get3A_37, %get3A_38] : memref<64x64xf32, #tpu.memory_space<vmem>>, vector<64x64xf32>
    %dot_general3A = arith.constant dense<0.000000e+00> : vector<2528x64xf32>
    %dot_general3A_40 = tpu.matmul %max3A_36, %get3A_39, %dot_general3A {dimension_numbers = #tpu.dot_dimension_numbers<[1], [0], [0], [1], [0, 0, 1, 1], [], []>, transpose_lhs_hint = false} : vector<2528x64xf32>, vector<64x64xf32>, vector<2528x64xf32> -> vector<2528x64xf32>
    %slice3A = vector.extract_strided_slice %dot_general3A_40 {offsets = [0, 0], sizes = [2528, 32], strides = [1, 1]} : vector<2528x64xf32> to vector<2528x32xf32>
    %swap3A = arith.constant 0 : index
    %swap3A_41 = arith.constant 0 : index
    %swap3A_42 = vector.load %arg6[%swap3A, %swap3A_41] : memref<2528x32xf32, #tpu.memory_space<vmem>>, vector<2528x32xf32>
    tpu.vector_store %arg6[%swap3A, %swap3A_41], %slice3A {strides = array<i32>} : memref<2528x32xf32, #tpu.memory_space<vmem>>, vector<2528x32xf32>,
    %slice3A_43 = vector.extract_strided_slice %dot_general3A_40 {offsets = [0, 32], sizes = [2528, 32], strides = [1, 1]} : vector<2528x64xf32> to vector<2528x32xf32>
    %swap3A_44 = arith.constant 0 : index
    %swap3A_45 = arith.constant 0 : index
    %swap3A_46 = vector.load %arg7[%swap3A_44, %swap3A_45] : memref<2528x32xf32, #tpu.memory_space<vmem>>, vector<2528x32xf32>
    tpu.vector_store %arg7[%swap3A_44, %swap3A_45], %slice3A_43 {strides = array<i32>} : memref<2528x32xf32, #tpu.memory_space<vmem>>, vector<2528x32xf32>,
    return
  }
  func.func @transform_0(%arg0: i32) -> (i32, i32, i32) {
    %c0_i32 = arith.constant 0 : i32
    %c0_i32_0 = arith.constant 0 : i32
    %c0_i32_1 = arith.constant 0 : i32
    return %c0_i32, %arg0, %c0_i32_0 : i32, i32, i32
  }
  func.func @transform_1(%arg0: i32) -> (i32, i32, i32) {
    %c0_i32 = arith.constant 0 : i32
    %c0_i32_0 = arith.constant 0 : i32
    %c0_i32_1 = arith.constant 0 : i32
    return %c0_i32, %arg0, %c0_i32_0 : i32, i32, i32
  }
  func.func @transform_2(%arg0: i32) -> (i32, i32) {
    %c0_i32 = arith.constant 0 : i32
    %c0_i32_0 = arith.constant 0 : i32
    return %arg0, %c0_i32 : i32, i32
  }
  func.func @transform_3(%arg0: i32) -> (i32, i32) {
    %c0_i32 = arith.constant 0 : i32
    %c0_i32_0 = arith.constant 0 : i32
    %c0_i32_1 = arith.constant 0 : i32
    return %c0_i32, %c0_i32_0 : i32, i32
  }
  func.func @transform_4(%arg0: i32) -> (i32, i32) {
    %c0_i32 = arith.constant 0 : i32
    %c0_i32_0 = arith.constant 0 : i32
    %c0_i32_1 = arith.constant 0 : i32
    return %c0_i32, %c0_i32_0 : i32, i32
  }
  func.func @transform_5(%arg0: i32) -> (i32, i32) {
    %c0_i32 = arith.constant 0 : i32
    %c0_i32_0 = arith.constant 0 : i32
    return %arg0, %c0_i32 : i32, i32
  }
  func.func @transform_6(%arg0: i32) -> (i32, i32) {
    %c0_i32 = arith.constant 0 : i32
    %c0_i32_0 = arith.constant 0 : i32
    return %arg0, %c0_i32 : i32, i32
  }
}

module attributes {stable_mosaic.version = 14 : i64} {
  func.func @_stage_c_body(%arg0: i32, %arg1: memref<2x2048x32xf32, #tpu.memory_space<vmem>>, %arg2: memref<2x2048x16xf32, #tpu.memory_space<vmem>>, %arg3: memref<2048x32xf32, #tpu.memory_space<vmem>>, %arg4: memref<1x32xf32, #tpu.memory_space<vmem>>, %arg5: memref<32x64xf32, #tpu.memory_space<vmem>>, %arg6: memref<1x64xf32, #tpu.memory_space<vmem>>, %arg7: memref<64x128xf32, #tpu.memory_space<vmem>>, %arg8: memref<1x128xf32, #tpu.memory_space<vmem>>, %arg9: memref<2048x128xf32, #tpu.memory_space<vmem>>) attributes {dimension_semantics = [#tpu.dimension_semantics<arbitrary>], iteration_bounds = array<i64: 5>, scalar_prefetch = 0 : i64, scratch_operands = 0 : i64, tpu.core_type = #tpu.core_type<tc>, window_params = [{transform_indices = @transform_0, window_bounds = array<i64: 2, 2048, 32>}, {transform_indices = @transform_1, window_bounds = array<i64: 2, 2048, 16>}, {transform_indices = @transform_2, window_bounds = array<i64: 2048, 32>}, {pipeline_mode = #tpu.pipeline_mode<synchronous>, transform_indices = @transform_3, window_bounds = array<i64: 1, 32>}, {pipeline_mode = #tpu.pipeline_mode<synchronous>, transform_indices = @transform_4, window_bounds = array<i64: 32, 64>}, {pipeline_mode = #tpu.pipeline_mode<synchronous>, transform_indices = @transform_5, window_bounds = array<i64: 1, 64>}, {pipeline_mode = #tpu.pipeline_mode<synchronous>, transform_indices = @transform_6, window_bounds = array<i64: 64, 128>}, {pipeline_mode = #tpu.pipeline_mode<synchronous>, transform_indices = @transform_7, window_bounds = array<i64: 1, 128>}, {transform_indices = @transform_8, window_bounds = array<i64: 2048, 128>}]} {
    %get3A = arith.constant 0 : index
    %get3A_0 = arith.constant 0 : index
    %get3A_1 = arith.constant 0 : index
    %get3A_2 = vector.load %arg2[%get3A, %get3A_0, %get3A_1] : memref<2x2048x16xf32, #tpu.memory_space<vmem>>, vector<1x2048x1xf32>
    %get3A_3 = vector.shape_cast %get3A_2 : vector<1x2048x1xf32> to vector<2048x1xf32>
    %get3A_4 = arith.constant 1 : index
    %get3A_5 = arith.constant 0 : index
    %get3A_6 = arith.constant 0 : index
    %get3A_7 = vector.load %arg2[%get3A_4, %get3A_5, %get3A_6] : memref<2x2048x16xf32, #tpu.memory_space<vmem>>, vector<1x2048x1xf32>
    %get3A_8 = vector.shape_cast %get3A_7 : vector<1x2048x1xf32> to vector<2048x1xf32>
    %add3A = arith.addf %get3A_3, %get3A_8 : vector<2048x1xf32>
    %max3A = arith.constant 1.000000e+00 : f32
    %max3A_9 = vector.broadcast %max3A : f32 to vector<2048x1xf32>
    %max3A_10 = arith.maximumf %add3A, %max3A_9 : vector<2048x1xf32>
    %div3A = arith.constant 1.000000e+00 : f32
    %div3A_11 = vector.broadcast %div3A : f32 to vector<2048x1xf32>
    %div3A_12 = arith.divf %div3A_11, %max3A_10 : vector<2048x1xf32>
    %get3A_13 = arith.constant 0 : index
    %get3A_14 = arith.constant 0 : index
    %get3A_15 = arith.constant 0 : index
    %get3A_16 = vector.load %arg1[%get3A_13, %get3A_14, %get3A_15] : memref<2x2048x32xf32, #tpu.memory_space<vmem>>, vector<1x2048x32xf32>
    %get3A_17 = vector.shape_cast %get3A_16 : vector<1x2048x32xf32> to vector<2048x32xf32>
    %get3A_18 = arith.constant 1 : index
    %get3A_19 = arith.constant 0 : index
    %get3A_20 = arith.constant 0 : index
    %get3A_21 = vector.load %arg1[%get3A_18, %get3A_19, %get3A_20] : memref<2x2048x32xf32, #tpu.memory_space<vmem>>, vector<1x2048x32xf32>
    %get3A_22 = vector.shape_cast %get3A_21 : vector<1x2048x32xf32> to vector<2048x32xf32>
    %add3A_23 = arith.addf %get3A_17, %get3A_22 : vector<2048x32xf32>
    %mul3A = vector.broadcast %div3A_12 : vector<2048x1xf32> to vector<2048x32xf32>
    %mul3A_24 = arith.mulf %add3A_23, %mul3A : vector<2048x32xf32>
    %get3A_25 = arith.constant 0 : index
    %get3A_26 = arith.constant 0 : index
    %get3A_27 = vector.load %arg3[%get3A_25, %get3A_26] : memref<2048x32xf32, #tpu.memory_space<vmem>>, vector<2048x32xf32>
    %add3A_28 = arith.addf %mul3A_24, %get3A_27 : vector<2048x32xf32>
    %get3A_29 = arith.constant 0 : index
    %get3A_30 = arith.constant 0 : index
    %get3A_31 = vector.load %arg4[%get3A_29, %get3A_30] : memref<1x32xf32, #tpu.memory_space<vmem>>, vector<1x32xf32>
    %add3A_32 = vector.broadcast %get3A_31 : vector<1x32xf32> to vector<2048x32xf32>
    %add3A_33 = arith.addf %add3A_28, %add3A_32 : vector<2048x32xf32>
    %get3A_34 = arith.constant 0 : index
    %get3A_35 = arith.constant 0 : index
    %get3A_36 = vector.load %arg5[%get3A_34, %get3A_35] : memref<32x64xf32, #tpu.memory_space<vmem>>, vector<32x64xf32>
    %dot_general3A = arith.constant dense<0.000000e+00> : vector<2048x64xf32>
    %dot_general3A_37 = tpu.matmul %add3A_33, %get3A_36, %dot_general3A {dimension_numbers = #tpu.dot_dimension_numbers<[1], [0], [0], [1], [0, 0, 1, 1], [], []>, transpose_lhs_hint = false} : vector<2048x32xf32>, vector<32x64xf32>, vector<2048x64xf32> -> vector<2048x64xf32>
    %get3A_38 = arith.constant 0 : index
    %get3A_39 = arith.constant 0 : index
    %get3A_40 = vector.load %arg6[%get3A_38, %get3A_39] : memref<1x64xf32, #tpu.memory_space<vmem>>, vector<1x64xf32>
    %add3A_41 = vector.broadcast %get3A_40 : vector<1x64xf32> to vector<2048x64xf32>
    %add3A_42 = arith.addf %dot_general3A_37, %add3A_41 : vector<2048x64xf32>
    %max3A_43 = arith.constant 0.000000e+00 : f32
    %max3A_44 = vector.broadcast %max3A_43 : f32 to vector<2048x64xf32>
    %max3A_45 = arith.maximumf %add3A_42, %max3A_44 : vector<2048x64xf32>
    %get3A_46 = arith.constant 0 : index
    %get3A_47 = arith.constant 0 : index
    %get3A_48 = vector.load %arg7[%get3A_46, %get3A_47] : memref<64x128xf32, #tpu.memory_space<vmem>>, vector<64x128xf32>
    %dot_general3A_49 = arith.constant dense<0.000000e+00> : vector<2048x128xf32>
    %dot_general3A_50 = tpu.matmul %max3A_45, %get3A_48, %dot_general3A_49 {dimension_numbers = #tpu.dot_dimension_numbers<[1], [0], [0], [1], [0, 0, 1, 1], [], []>, transpose_lhs_hint = false} : vector<2048x64xf32>, vector<64x128xf32>, vector<2048x128xf32> -> vector<2048x128xf32>
    %get3A_51 = arith.constant 0 : index
    %get3A_52 = arith.constant 0 : index
    %get3A_53 = vector.load %arg8[%get3A_51, %get3A_52] : memref<1x128xf32, #tpu.memory_space<vmem>>, vector<1x128xf32>
    %add3A_54 = vector.broadcast %get3A_53 : vector<1x128xf32> to vector<2048x128xf32>
    %add3A_55 = arith.addf %dot_general3A_50, %add3A_54 : vector<2048x128xf32>
    %swap3A = arith.constant 0 : index
    %swap3A_56 = arith.constant 0 : index
    %swap3A_57 = vector.load %arg9[%swap3A, %swap3A_56] : memref<2048x128xf32, #tpu.memory_space<vmem>>, vector<2048x128xf32>
    tpu.vector_store %arg9[%swap3A, %swap3A_56], %add3A_55 {strides = array<i32>} : memref<2048x128xf32, #tpu.memory_space<vmem>>, vector<2048x128xf32>,
    return
  }
  func.func @transform_0(%arg0: i32) -> (i32, i32, i32) {
    %c0_i32 = arith.constant 0 : i32
    %c0_i32_0 = arith.constant 0 : i32
    %c0_i32_1 = arith.constant 0 : i32
    return %c0_i32, %arg0, %c0_i32_0 : i32, i32, i32
  }
  func.func @transform_1(%arg0: i32) -> (i32, i32, i32) {
    %c0_i32 = arith.constant 0 : i32
    %c0_i32_0 = arith.constant 0 : i32
    %c0_i32_1 = arith.constant 0 : i32
    return %c0_i32, %arg0, %c0_i32_0 : i32, i32, i32
  }
  func.func @transform_2(%arg0: i32) -> (i32, i32) {
    %c0_i32 = arith.constant 0 : i32
    %c0_i32_0 = arith.constant 0 : i32
    return %arg0, %c0_i32 : i32, i32
  }
  func.func @transform_3(%arg0: i32) -> (i32, i32) {
    %c0_i32 = arith.constant 0 : i32
    %c0_i32_0 = arith.constant 0 : i32
    %c0_i32_1 = arith.constant 0 : i32
    return %c0_i32, %c0_i32_0 : i32, i32
  }
  func.func @transform_4(%arg0: i32) -> (i32, i32) {
    %c0_i32 = arith.constant 0 : i32
    %c0_i32_0 = arith.constant 0 : i32
    %c0_i32_1 = arith.constant 0 : i32
    return %c0_i32, %c0_i32_0 : i32, i32
  }
  func.func @transform_5(%arg0: i32) -> (i32, i32) {
    %c0_i32 = arith.constant 0 : i32
    %c0_i32_0 = arith.constant 0 : i32
    %c0_i32_1 = arith.constant 0 : i32
    return %c0_i32, %c0_i32_0 : i32, i32
  }
  func.func @transform_6(%arg0: i32) -> (i32, i32) {
    %c0_i32 = arith.constant 0 : i32
    %c0_i32_0 = arith.constant 0 : i32
    %c0_i32_1 = arith.constant 0 : i32
    return %c0_i32, %c0_i32_0 : i32, i32
  }
  func.func @transform_7(%arg0: i32) -> (i32, i32) {
    %c0_i32 = arith.constant 0 : i32
    %c0_i32_0 = arith.constant 0 : i32
    %c0_i32_1 = arith.constant 0 : i32
    return %c0_i32, %c0_i32_0 : i32, i32
  }
  func.func @transform_8(%arg0: i32) -> (i32, i32) {
    %c0_i32 = arith.constant 0 : i32
    %c0_i32_0 = arith.constant 0 : i32
    return %arg0, %c0_i32 : i32, i32
  }
}

</mosaic_0001>

<sc_bundles>
// kernel: kernel.10.cloned.1.call-start
scs
__scs_entry_jumppad:
0x0: {  	(pc) =	sbr.rel $0x88, $3  }
0x1: {  	(tag) =	ssettag $0x0;
	lr =	simm.s32 $0x1  }
0x2: {  	[smem:$0x3F95] =	sst lr;
	_ =	strace $0xD0000000  }
0x3: {  	_ = 	snop  }
0x4: {  	_ = 	snop  }
0x5: {  	_ = 	snop  }
0x6: {  	_ = 	snop  }
0x7: {  	_ = 	snop  }
__scs_overlays_trampoline_lowered:
0x8: {  	[smem:$0x3FA4] =	sst s0  }
0x9: {  	[smem:$0x3FA5] =	sst s1  }
0xa: {  	[smem:$0x3FA6] =	sst s2  }
0xb: {  	[smem:$0x3FA7] =	sst s3  }
0xc: {  	[smem:$0x3FA8] =	sst s4  }
0xd: {  	[smem:$0x3FA9] =	sst s5  }
0xe: {  	[smem:$0x3FAA] =	sst s6  }
0xf: {  	[smem:$0x3FAB] =	sst s7  }
0x10: {  	[smem:$0x3FAC] =	sst s8  }
0x11: {  	[smem:$0x3FAD] =	sst s9;
	s0 =	simm.s32 @!p0 $0x0  }
0x12: {  	s1 =	sld [smem:$0x3F93];
	s0 =	simm.s32 @p0 $0x1  }
0x13: {  	[smem:$0x3FAE] =	sst s0;
	s0 =	simm.s32 @!p1 $0x0  }
0x14: {  	s2 =	sld [smem:$0x3F92];
	s0 =	simm.s32 @p1 $0x1  }
0x15: {  	[smem:$0x3FAF] =	sst s0;
	s0 =	simm.s32 @!p2 $0x0  }
0x16: {  	s3 =	sld [smem:$0x3FDB];
	s0 =	simm.s32 @p2 $0x1  }
0x17: {  	s4 =	simm.s32 $0x1BF5;
	[smem:$0x3FB1] =	sst s0  }
0x18: {  	s0 =	sld [smem:$0x3F94];
	_ =	swait.ge [sflag:s4], $0x0  }
0x19: {  	s7 =	sld [smem:$0x3F95]  }
0x1a: {  	s8 =	sadd.s32 $0xFFFFE003, lr  }
0x1b: {  	s9 =	sadd.s32 $0xFFFFFEF7, lr;
	s5 =	simm.s32 $0xFFFFFFFF;
	p2 =	slt.u32 s8, $0xFFFFF086  }
0x1c: {  	p1 =	slt.u32 s9, $0xF7A;
	s5 =	simm.s32 @!p2 $0x0  }
0x1d: {  	s5 =	simm.s32 @p1 $0x1;
	p0 =	seq.s32 s7, s2  }
0x1e: {  	s7 =	smul.u32 @!p0 $0xF7A, s2;
	p2 =	seq.s32 @!p0 s5, $0x0  }
0x1f: {  	s9 =	smul.u32 $0xF7A, s1;
	s8 =	simm.s32 @!p0 $0x1BF5;
	p2 =	por !p2, p0  }
0x20: {  	[sflag:s8] =	ssyncset.s32 @!p0 $0xFFFFF086;
	s6 =	sadd.s32 @!p0 s3, s7;
	s7 =	simm.s32 @!p0 $0x108  }
0x21: {  	s3 =	sadd.s32 s3, s9;
	s6 =	sadd.s32 @!p0 $0x88, s6;
	s7 =	simm.s32 @p2 $0x1082  }
0x22: {  	[simem:s7], [sflag:s8] =	dma.local @!p0 [hbm:s6], $0xF7A  }
0x23: {  	s9 =	sor.u32 $0xD0000000, s2;
	s6 =	simm.s32 $0x108;
	_ =	swait.ge @!p0 [sflag:s8], $0x0  }
0x24: {  	s3 =	sadd.s32 $0x88, s3;
	s6 =	simm.s32 @!p1 $0x1082;
	[sflag:s4] =	ssyncset.s32 $0xFFFFF086  }
0x25: {  	[simem:s6], [sflag:s4] =	dma.local [hbm:s3], $0xF7A  }
0x26: {  	[smem:$0x3F95] =	sst s1;
	(tag) =	ssettag s2;
	_ =	strace s9  }
0x27: {  	s1 =	sld [smem:$0x3FA5]  }
0x28: {  	s2 =	sld [smem:$0x3FA6]  }
0x29: {  	s4 =	sld [smem:$0x3FA8]  }
0x2a: {  	p0 =	seq.s32 s5, $0x0;
	s5 =	sld [smem:$0x3FA9]  }
0x2b: {  	s6 =	sld [smem:$0x3FAA]  }
0x2c: {  	s7 =	sld [smem:$0x3FAB]  }
0x2d: {  	s3 =	simm.s32 $0x108;
	s8 =	sld [smem:$0x3FAC]  }
0x2e: {  	s3 =	simm.s32 @!p0 $0x1082;
	s9 =	sld [smem:$0x3FAD]  }
0x2f: {  	lr =	sadd.s32 s0, s3;
	s0 =	sld [smem:$0x3FA4]  }
0x30: {  	s3 =	sld [smem:$0x3FA7]  }
0x31: {  	[smem:$0x3FB0] =	sst s10  }
0x32: {  	s10 =	sld [smem:$0x3FAE];
	_ =	sdelay $0x3  }
0x33: {  	p0 =	seq.s32 s10, $0x1;
	s10 =	sld [smem:$0x3FB0];
	_ =	sdelay $0x3  }
0x34: {  	[smem:$0x3FB0] =	sst s10  }
0x35: {  	s10 =	sld [smem:$0x3FAF];
	_ =	sdelay $0x3  }
0x36: {  	p1 =	seq.s32 s10, $0x1;
	s10 =	sld [smem:$0x3FB0];
	_ =	sdelay $0x3  }
0x37: {  	[smem:$0x3FB0] =	sst s10  }
0x38: {  	s10 =	sld [smem:$0x3FB1]  }
0x39: {  	_ = 	snop;
	(pc) =	sbr.ind lr, $3  }
0x3a: {  	_ = 	snop  }
0x3b: {  	_ = 	snop  }
0x3c: {  	p2 =	seq.s32 s10, $0x1;
	s10 =	sld [smem:$0x3FB0]  }
0x3d: {  	_ =	shalt  }
0x3e: {  	_ =	shalt  }
0x3f: {  	_ =	shalt  }
0x40: {  	_ =	shalt  }
0x41: {  	_ =	shalt  }
0x42: {  	_ =	shalt  }
0x43: {  	_ =	shalt  }
0x44: {  	_ =	shalt  }
0x45: {  	_ =	shalt  }
0x46: {  	_ =	shalt  }
0x47: {  	_ =	shalt  }
0x48: {  	_ =	shalt  }
0x49: {  	_ =	shalt  }
0x4a: {  	_ =	shalt  }
0x4b: {  	_ =	shalt  }
0x4c: {  	_ =	shalt  }
0x4d: {  	_ =	shalt  }
0x4e: {  	_ =	shalt  }
0x4f: {  	_ =	shalt  }
0x50: {  	_ =	shalt  }
0x51: {  	_ =	shalt  }
0x52: {  	_ =	shalt  }
0x53: {  	_ =	shalt  }
0x54: {  	_ =	shalt  }
0x55: {  	_ =	shalt  }
0x56: {  	_ =	shalt  }
0x57: {  	_ =	shalt  }
0x58: {  	_ =	shalt  }
0x59: {  	_ =	shalt  }
0x5a: {  	_ =	shalt  }
0x5b: {  	_ =	shalt  }
0x5c: {  	_ =	shalt  }
0x5d: {  	_ =	shalt  }
0x5e: {  	_ =	shalt  }
0x5f: {  	_ =	shalt  }
0x60: {  	_ =	shalt  }
0x61: {  	_ =	shalt  }
0x62: {  	_ =	shalt  }
0x63: {  	_ =	shalt  }
0x64: {  	_ =	shalt  }
0x65: {  	_ =	shalt  }
0x66: {  	_ =	shalt  }
0x67: {  	_ =	shalt  }
0x68: {  	_ =	shalt  }
0x69: {  	_ =	shalt  }
0x6a: {  	_ =	shalt  }
0x6b: {  	_ =	shalt  }
0x6c: {  	_ =	shalt  }
0x6d: {  	_ =	shalt  }
0x6e: {  	_ =	shalt  }
0x6f: {  	_ =	shalt  }
0x70: {  	_ =	shalt  }
0x71: {  	_ =	shalt  }
0x72: {  	_ =	shalt  }
0x73: {  	_ =	shalt  }
0x74: {  	_ =	shalt  }
0x75: {  	_ =	shalt  }
0x76: {  	_ =	shalt  }
0x77: {  	_ =	shalt  }
0x78: {  	_ =	shalt  }
0x79: {  	_ =	shalt  }
0x7a: {  	_ =	shalt  }
0x7b: {  	_ =	shalt  }
0x7c: {  	_ =	shalt  }
0x7d: {  	_ =	shalt  }
0x7e: {  	_ =	shalt  }
0x7f: {  	_ =	shalt  }
0x80: {  	_ =	shalt  }
0x81: {  	_ =	shalt  }
0x82: {  	_ =	shalt  }
0x83: {  	_ =	shalt  }
0x84: {  	_ =	shalt  }
0x85: {  	_ =	shalt  }
0x86: {  	_ =	shalt  }
0x87: {  	_ =	shalt  }
.Lfunc_end0:
.L_simem_size_0:
called_computation.1_lowered:
.L_overlay_start_0:
0x88: {  	s2 =	sld [smem:$0x3FD9]  }
0x89: {  	s3 =	sld [smem:$0x3FFE];
	_ =	sdelay $0x1  }
0x8a: {  	s1 =	srdreg.scid  }
0x8b: {  	s0 =	sand.u32 $0x1, s1  }
0x8c: {  	s17 =	sshll.u32 s0, $0xA;
	s2 =	sadd.s32 s3, s2  }
0x8d: {  	s2 =	sadd.s32 s2, s17  }
0x8e: {  	[smem:$0x3FBC] =	sst s2  }
0x8f: {  	_ = 	snop  }
0x90: {  	s2 =	sld [smem:$0x3FD0];
	(tm) =	ssettm $0x1  }
0x91: {  	s18 =	sld [smem:$0x3FFB];
	_ =	sdelay $0x3  }
0x92: {  	_ =	strace s18  }
0x93: {  	s3 =	sld [smem:$0x3FFC];
	_ =	sdelay $0x3  }
0x94: {  	_ =	strace s3  }
0x95: {  	s3 =	sld [smem:$0x3FFD];
	_ =	sdelay $0x3  }
0x96: {  	_ =	strace s3  }
0x97: {  	_ =	strace $0x8FFFFFFF  }
0x98: {  	s19 =	sld [smem:$0x3FDB];
	_ =	sdelay $0x1  }
0x99: {  	s4 =	simm.s32 $_scs_section_size  }
0x9a: {  	s5 =	simm.s32 $_size__tile_overlayer_lowered;
	s6 =	simm.s32 $_tile_overlayer_lowered  }
0x9b: {  	s22 =	simm.s32 $0x1BFF;
	s21 =	sshll.u32 s6, $0x1;
	s3 =	sadd.s32 s4, s19  }
0x9c: {  	s7 =	simm.s32 $0x0;
	s20 =	sshll.u32 s5, $0x1;
	s5 =	sadd.s32 s21, s3  }
0x9d: {  	[timem:s7], [sflag:s22] =	dma.local [hbm:s5], s20  }
0x9e: {  	_ =	swait.ge [sflag:s22], s20  }
0x9f: {  	s4 =	ssub.s32 $0x0, s20;
	[sflag:s22] =	ssyncset.done $0x0  }
0xa0: {  	[sflag:s22] =	ssyncadd.s32 s4;
	_ =	sdelay $0x1  }
0xa1: {  	s23 =	simm.s32 $0x1B8B  }
0xa2: {  	_ =	swait.ge [sflag:s23], $0x1  }
0xa3: {  	[sflag:s23] =	ssyncset.done $0x0  }
0xa4: {  	s25 =	simm.s32 $0x1B8E;
	s24 =	sld [smem:$0x3FFE];
	[sflag:s23] =	ssyncadd.s32 $0xFFFFFFFF  }
0xa5: {  	s26 =	simm.s32 $execute0_lowered;
	[smem:$0x3FD2] =	sst s25  }
0xa6: {  	s5 =	sshll.u32 s26, $0x1;
	_ =	strace $0x80000049;
	[dreg:$0x1] =	wrdreg $0xFFFFFFFF  }
0xa7: {  	s28 =	simm.s32 $_size_execute0_lowered;
	s3 =	sadd.s32 s3, s5;
	[dreg:$0x0] =	wrdreg $0x0  }
0xa8: {  	s5 =	sshll.u32 s28, $0x1;
	[dreg:$0x2] =	wrdreg s3  }
0xa9: {  	[dreg:$0x3] =	wrdreg s5  }
0xaa: {  	[dreg:$0x4] =	wrdreg $0xC0  }
0xab: {  	_ =	task [dreg:s7], $0x5FFFF  }
0xac: {  	[dreg:$0x1] =	wrdreg $0xFFFFFFFF  }
0xad: {  	[dreg:$0x0] =	wrdreg $0x60  }
0xae: {  	[dreg:$0x2] =	wrdreg s24  }
0xaf: {  	[dreg:$0x3] =	wrdreg s2  }
0xb0: {  	[dreg:$0x4] =	wrdreg $0x0  }
0xb1: {  	[dreg:$0x5] =	wrdreg $0x9  }
0xb2: {  	_ =	task.clear_ibuf [dreg:s7], $0x6FFFF;
	_ =	strace $0x90000049  }
0xb3: {  	s29 =	simm.s32 $0x9;
	_ =	strace $0x8000004B  }
0xb4: {  	_ =	swait.ge [sflag:s29], $0x1  }
0xb5: {  	[sflag:s29] =	ssyncadd.s32 $0xFFFFFFFF  }
0xb6: {  	_ =	strace $0x9000004B  }
0xb7: {  	_ =	sfence  }
0xb8: {  	s30 =	sld [smem:$0x0];
	_ =	sdelay $0x2  }
0xb9: {  	s31 =	sshll.u32 s1, $0xD;
	s1 =	sshrl.u32 s1, $0x2  }
0xba: {  	s3 =	sand.u32 $0x4000, s31;
	s1 =	sadd.s32 s1, s30  }
0xbb: {  	s0 =	sor.u32 s3, s0;
	s1 =	sshll.u32 s1, $0x11  }
0xbc: {  	s0 =	sor.u32 s1, s0  }
0xbd: {  	s0 =	sadd.s32 $0x8F2B, s0  }
0xbe: {  	[sflag:s0] =	ssyncadd.remote.s32 $0x1  }
0xbf: {  	_ =	sfence.sel $0xFFFF  }
0xc0: {  	[dreg:$0x0] =	wrdreg $0xFFFFFFFF;
	(pc) =	sbr.abs _section_cstart, $3  }
0xc1: {  	[dreg:$0x1] =	wrdreg $0xFFFFFFFF  }
0xc2: {  	_ =	task.clear_ibuf [dreg:s7], $0x2FFFF;
	_ =	strace $0x9FFFFFFF  }
0xc3: {  	(tm) =	ssettm $0x7FFFFFFF  }
tec
execute0_lowered:
.L_overlay_start_1:
0x0: {  	(tag) =	ssettag $0x1  }
0x1: {  	s5 =	rddreg [dreg:$0x0]  }
0x2: {  	s13 =	rddreg [dreg:$0x1]  }
0x3: {  	s2 =	rddreg [dreg:$0x2]  }
0x4: {  	s3 =	simm.s32 $0x0;
	s0 =	stileid.u32;
	s6 =	srdreg.scid  }
0x5: {  	s17 =	simm.s32 $0x80;
	s18 =	simm.s32 $0x4F00;
	s19 =	simm.s32 $0x9E00  }
0x6: {  	s20 =	simm.s32 $0xAE00;
	s21 =	simm.s32 $0x1;
	s22 =	simm.s32 $0x3  }
0x7: {  	s28 =	simm.s32 $0x9D00;
	[smem:$0x7FF] =	sst s3;
	s10 =	smul.u32 $0x4F00, s0  }
0x8: {  	s4 =	sadd.s32 $0x16200, s5;
	s8 =	sadd.s32 $0x2800, s5;
	s11 =	smul.u32 $0x4E, s0  }
0x9: {  	s7 =	sand.u32 $0x1, s6;
	s12 =	smin.u32 s0, $0x4;
	s26 =	smul.u32 $0x2700, s0  }
0xa: {  	p1 =	slt.u32 s0, $0x4;
	s29 =	sshll.u32 s0, $0x6;
	s30 =	smul.u32 $0x4E0, s0  }
0xb: {  	_ =	strace $0x8000004A;
	s9 =	ssub.s32 $0x2, s7;
	p0 =	seq.s32 s7, $0x1  }
0xc: {  	s6 =	sadd.s32 $0x1C05, s29;
	s16 =	smul.u32 $0x4F000, s7;
	s23 =	sshrl.u32 s10, $0x3  }
0xd: {  	s24 =	sshrl.u32 s9, $0x1;
	s11 =	sadd.s32 s12, s11;
	p1 =	por !p0, !p1  }
0xe: {  	s15 =	sadd.s32 s10, s2;
	s7 =	sadd.s32 s8, s30;
	p2 =	sgt.u32 @p0 s0, $0x3  }
0xf: {  	s5 =	sadd.s32 s23, s5;
	s14 =	ssub.s32 s9, s24;
	s25 =	sshll.u32 s11, $0x4  }
0x10: {  	p1 =	por !p1, !p1;
	s11 =	sshrl.u32 s26, $0x3;
	s16 =	sadd.s32 s10, s16  }
0x11: {  	s15 =	sshrl.u32 s15, $0x3;
	p2 =	por p2, !p0;
	s23 =	simm.s32 $0x2  }
0x12: {  	s24 =	simm.s32 $0x4;
	s26 =	simm.s32 $0x9C80;
	s5 =	sadd.s32 $0x20000, s5  }
0x13: {  	s11 =	sadd.s32 s8, s11;
	s31 =	sadd.s32 s8, s25;
	s16 =	sshrl.u32 s16, $0x3  }
0x14: {  	s14 =	smax.u32 s14, $0x1;
	s25 =	simm.s32 $0x7580;
	s8 =	sadd.s32 $0x9C40, s11  }
0x15: {  	s9 =	sadd.s32 $0x4E00, s31;
	s10 =	sadd.s32 $0xEA40, s31;
	s11 =	sadd.s32 $0x52E0, s31  }
0x16: {  	s12 =	sadd.s32 $0xEF20, s31;
	s13 =	sadd.s32 s13, s16;
	s16 =	simm.s32 $0x5  }
.LBB2_1:
0x17: {  	[spmem:s15], [sflag:s6] =	dma.local [hbm:s5], $0x9E0  }
0x18: {  	_ =	swait.ge [sflag:s16], $0x9E0  }
0x19: {  	[sflag:s16] =	ssyncset.done $0x0  }
0x1a: {  	s29 =	simm.s32 @p0 $0x0;
	s30 =	simm.s32 @p0 $0x4F00;
	[sflag:s16] =	ssyncadd.s32 $0xFFFFF620  }
0x1b: {  	[tilespmem:s30], [sflag:$0x5] =	stream.linear.gather @p0 [hbm4b:s9+s29], $0x2700, $0x38;
	[tilespmem:$0xBE00] =	vst v63  }
0x1c: {  	s30 =	simm.s32 @p0 $0x5  }
0x1d: {  	_ =	swait.ge @p0 [sflag:s30], $0x2700  }
0x1e: {  	[sflag:s30] =	ssyncset.done @p0 $0x0  }
0x1f: {  	s31 =	simm.s32 @p0 $0x7680;
	[sflag:s30] =	ssyncadd.s32 @p0 $0xFFFFD900  }
0x20: {  	[tilespmem:s31], [sflag:$0x5] =	stream.linear.gather @p0 [hbm4b:s10+s29], $0x2700, $0x38;
	[tilespmem:$0xBE00] =	vst v63  }
0x21: {  	_ =	swait.ge @p0 [sflag:s30], $0x2700  }
0x22: {  	[sflag:s30] =	ssyncset.done @p0 $0x0  }
0x23: {  	s29 =	simm.s32 @!p2 $0x0;
	[sflag:s30] =	ssyncadd.s32 @p0 $0xFFFFD900;
	s30 =	simm.s32 @!p2 $0x7600  }
0x24: {  	[tilespmem:s30], [sflag:$0x5] =	stream.linear.gather @!p2 [hbm4b:s11+s29], $0x80, $0x38;
	[tilespmem:$0xBE00] =	vst v63  }
0x25: {  	s30 =	simm.s32 @!p2 $0x5  }
0x26: {  	_ =	swait.ge @!p2 [sflag:s30], $0x80  }
0x27: {  	[sflag:s30] =	ssyncset.done @!p2 $0x0  }
0x28: {  	s31 =	simm.s32 @!p2 $0x9D80;
	[sflag:s30] =	ssyncadd.s32 @!p2 $0xFFFFFF80  }
0x29: {  	[tilespmem:s31], [sflag:$0x5] =	stream.linear.gather @!p2 [hbm4b:s12+s29], $0x80, $0x38;
	[tilespmem:$0xBE00] =	vst v63  }
0x2a: {  	_ =	swait.ge @!p2 [sflag:s30], $0x80  }
0x2b: {  	[sflag:s30] =	ssyncset.done @!p2 $0x0  }
0x2c: {  	s29 =	simm.s32 @!p0 $0x0;
	[sflag:s30] =	ssyncadd.s32 @!p2 $0xFFFFFF80;
	s30 =	simm.s32 @!p0 $0x4F00  }
0x2d: {  	[tilespmem:s30], [sflag:$0x5] =	stream.linear.gather @!p0 [hbm4b:s7+s29], $0x2700, $0x38;
	[tilespmem:$0xBE00] =	vst v63  }
0x2e: {  	s30 =	simm.s32 @!p0 $0x5  }
0x2f: {  	_ =	swait.ge @!p0 [sflag:s30], $0x2700  }
0x30: {  	[sflag:s30] =	ssyncset.done @!p0 $0x0  }
0x31: {  	s31 =	simm.s32 @!p0 $0x7680;
	[sflag:s30] =	ssyncadd.s32 @!p0 $0xFFFFD900  }
0x32: {  	[tilespmem:s31], [sflag:$0x5] =	stream.linear.gather @!p0 [hbm4b:s8+s29], $0x2700, $0x38;
	[tilespmem:$0xBE00] =	vst v63  }
0x33: {  	_ =	swait.ge @!p0 [sflag:s30], $0x2700  }
0x34: {  	[sflag:s30] =	ssyncset.done @!p0 $0x0  }
0x35: {  	[sflag:s30] =	ssyncadd.s32 @!p0 $0xFFFFD900  }
0x36: {  	[bflag:$0x0] =	sbarrier.arrive $0xFFFF  }
0x37: {  	[tilespmem:s19], [sflag:$0x1] =	stream.indirect.gather [hbm4b:s4+s17], $0x20, s18, s17, $0xb8;
	[tilespmem:$0xBE00] =	vst v63  }
0x38: {  	s29 =	simm.s32 $0x4F80  }
0x39: {  	[tilespmem:s20], [sflag:$0x2] =	stream.indirect.gather [hbm4b:s4+s17], $0x20, s29, s17, $0xb8;
	[tilespmem:$0xBE00] =	vst v63  }
0x3a: {  	_ =	swait.ge [sflag:s21], $0x1000  }
0x3b: {  	[sflag:s21] =	ssyncset.done $0x0  }
0x3c: {  	s29 =	simm.s32 $0x7680;
	[sflag:s21] =	ssyncadd.s32 $0xFFFFF000  }
0x3d: {  	[spmem:s2] =	stream.indirect.scatter.add.f32 [tilespmem:s19], [sflag:$0x3], $0x20, s29, s17, $0xb8;
	[tilespmem:$0xBE00] =	vst v63  }
0x3e: {  	_ =	swait.ge [sflag:s22], $0x1000  }
0x3f: {  	[sflag:s22] =	ssyncset.done $0x0  }
0x40: {  	s29 =	simm.s32 $0x5000;
	[sflag:s22] =	ssyncadd.s32 $0xFFFFF000  }
0x41: {  	[tilespmem:s19], [sflag:$0x1] =	stream.indirect.gather [hbm4b:s4+s17], $0x20, s29, s17, $0xb8;
	[tilespmem:$0xBE00] =	vst v63  }
0x42: {  	_ =	swait.ge [sflag:s23], $0x1000  }
0x43: {  	[sflag:s23] =	ssyncset.done $0x0  }
0x44: {  	s29 =	simm.s32 $0x7700;
	[sflag:s23] =	ssyncadd.s32 $0xFFFFF000  }
0x45: {  	[spmem:s2] =	stream.indirect.scatter.add.f32 [tilespmem:s20], [sflag:$0x4], $0x20, s29, s17, $0xb8;
	[tilespmem:$0xBE00] =	vst v63  }
0x46: {  	_ =	swait.ge [sflag:s24], $0x1000  }
0x47: {  	s30 =	simm.s32 $0x800;
	s29 =	simm.s32 $0x100;
	[sflag:s24] =	ssyncset.done $0x0  }
.LBB2_2:
0x48: {  	s31 =	sadd.s32 $0x4F80, s29  }
0x49: {  	[sflag:s24] =	ssyncadd.s32 $0xFFFFF000;
	s0 =	smov.u32 s30;
	s1 =	sadd.s32 $0x400, s30  }
0x4a: {  	[tilespmem:s20], [sflag:$0x2] =	stream.indirect.gather [hbm4b:s4+s17], $0x20, s31, s17, $0xb8;
	[tilespmem:$0xBE00] =	vst v63  }
0x4b: {  	p3 =	sne.s32 s30, $0x9400;
	_ =	swait.ge [sflag:s21], $0x1000  }
0x4c: {  	[sflag:s21] =	ssyncset.done $0x0  }
0x4d: {  	s30 =	sadd.s32 $0x7680, s29;
	[sflag:s21] =	ssyncadd.s32 $0xFFFFF000  }
0x4e: {  	[spmem:s2] =	stream.indirect.scatter.add.f32 [tilespmem:s19], [sflag:$0x3], $0x20, s30, s17, $0xb8;
	[tilespmem:$0xBE00] =	vst v63  }
0x4f: {  	_ =	swait.ge [sflag:s22], $0x1000  }
0x50: {  	[sflag:s22] =	ssyncset.done $0x0  }
0x51: {  	s30 =	sadd.s32 $0x5000, s29;
	[sflag:s22] =	ssyncadd.s32 $0xFFFFF000  }
0x52: {  	[tilespmem:s19], [sflag:$0x1] =	stream.indirect.gather [hbm4b:s4+s17], $0x20, s30, s17, $0xb8;
	[tilespmem:$0xBE00] =	vst v63  }
0x53: {  	_ =	swait.ge [sflag:s23], $0x1000  }
.Ltmp0:
0x54: {  	[sflag:s23] =	ssyncset.done $0x0;
	(pc) =	sbr.rel @p3 .LBB2_2-.Ltmp0, $4  }
0x55: {  	s29 =	sadd.s32 $0x7700, s29;
	[sflag:s23] =	ssyncadd.s32 $0xFFFFF000  }
0x56: {  	[spmem:s2] =	stream.indirect.scatter.add.f32 [tilespmem:s20], [sflag:$0x4], $0x20, s29, s17, $0xb8;
	[tilespmem:$0xBE00] =	vst v63  }
0x57: {  	_ =	swait.ge [sflag:s24], $0x1000  }
0x58: {  	s30 =	smov.u32 s1;
	s29 =	sshra.s32 s0, $0x2;
	[sflag:s24] =	ssyncset.done $0x0  }
0x59: {  	s0 =	sadd.s32 $0x4F80, s29;
	[sflag:s24] =	ssyncadd.s32 $0xFFFFF000  }
0x5a: {  	[tilespmem:s20], [sflag:$0x2] =	stream.indirect.gather [hbm4b:s4+s17], $0x20, s0, s17, $0xb8;
	[tilespmem:$0xBE00] =	vst v63  }
0x5b: {  	_ =	swait.ge [sflag:s21], $0x1000  }
0x5c: {  	[sflag:s21] =	ssyncset.done $0x0  }
0x5d: {  	s1 =	sadd.s32 $0x7680, s29;
	[sflag:s21] =	ssyncadd.s32 $0xFFFFF000  }
0x5e: {  	[spmem:s2] =	stream.indirect.scatter.add.f32 [tilespmem:s19], [sflag:$0x3], $0x20, s1, s17, $0xb8;
	[tilespmem:$0xBE00] =	vst v63  }
0x5f: {  	_ =	swait.ge [sflag:s22], $0x1000  }
0x60: {  	[sflag:s22] =	ssyncset.done $0x0  }
0x61: {  	s30 =	sadd.s32 $0x5000, s29;
	[sflag:s22] =	ssyncadd.s32 $0xFFFFF000  }
0x62: {  	[tilespmem:s19], [sflag:$0x1] =	stream.indirect.gather [hbm4b:s4+s17], $0x20, s30, s17, $0xb8;
	[tilespmem:$0xBE00] =	vst v63  }
0x63: {  	_ =	swait.ge [sflag:s23], $0x1000  }
0x64: {  	[sflag:s23] =	ssyncset.done $0x0  }
0x65: {  	s31 =	sadd.s32 $0x7700, s29;
	[sflag:s23] =	ssyncadd.s32 $0xFFFFF000  }
0x66: {  	[spmem:s2] =	stream.indirect.scatter.add.f32 [tilespmem:s20], [sflag:$0x4], $0x20, s31, s17, $0xb8;
	[tilespmem:$0xBE00] =	vst v63  }
0x67: {  	_ =	swait.ge [sflag:s24], $0x1000  }
0x68: {  	[sflag:s24] =	ssyncset.done $0x0  }
0x69: {  	[sflag:s24] =	ssyncadd.s32 $0xFFFFF000  }
0x6a: {  	[tilespmem:s20], [sflag:$0x2] =	stream.indirect.gather [hbm4b:s4+s17], $0x20, s25, s17, $0xb8;
	[tilespmem:$0xBE00] =	vst v63  }
0x6b: {  	_ =	swait.ge [sflag:s21], $0x1000  }
0x6c: {  	[sflag:s21] =	ssyncset.done $0x0  }
0x6d: {  	[sflag:s21] =	ssyncadd.s32 $0xFFFFF000  }
0x6e: {  	[spmem:s2] =	stream.indirect.scatter.add.f32 [tilespmem:s19], [sflag:$0x3], $0x20, s26, s17, $0xb8;
	[tilespmem:$0xBE00] =	vst v63  }
0x6f: {  	_ =	swait.ge [sflag:s22], $0x1000  }
0x70: {  	[sflag:s22] =	ssyncset.done $0x0  }
0x71: {  	[sflag:s22] =	ssyncadd.s32 $0xFFFFF000  }
0x72: {  	_ =	swait.ge [sflag:s23], $0x1000  }
0x73: {  	[sflag:s23] =	ssyncset.done $0x0  }
0x74: {  	[sflag:s23] =	ssyncadd.s32 $0xFFFFF000  }
0x75: {  	[spmem:s2] =	stream.indirect.scatter.add.f32 [tilespmem:s20], [sflag:$0x4], $0x20, s28, s17, $0xb8;
	[tilespmem:$0xBE00] =	vst v63  }
0x76: {  	_ =	swait.ge [sflag:s24], $0x1000  }
0x77: {  	s29 =	simm.s32 @p1 $0x9E00;
	[sflag:s24] =	ssyncset.done $0x0  }
0x78: {  	s0 =	simm.s32 @p1 $0x80;
	s1 =	simm.s32 @p1 $0x7600;
	[sflag:s24] =	ssyncadd.s32 $0xFFFFF000  }
0x79: {  	[tilespmem:s29], [sflag:$0x1] =	stream.indirect.gather @p1 [hbm4b:s4+s0], $0x20, s1, s0, $0xb8;
	[tilespmem:$0xBE00] =	vst v63  }
0x7a: {  	s1 =	simm.s32 @p1 $0x1  }
0x7b: {  	_ =	swait.ge @p1 [sflag:s1], $0x1000  }
0x7c: {  	[sflag:s1] =	ssyncset.done @p1 $0x0  }
0x7d: {  	[sflag:s1] =	ssyncadd.s32 @p1 $0xFFFFF000;
	s1 =	simm.s32 @p1 $0x9D80  }
0x7e: {  	[spmem:s2] =	stream.indirect.scatter.add.f32 @p1 [tilespmem:s29], [sflag:$0x3], $0x20, s1, s0, $0xb8;
	[tilespmem:$0xBE00] =	vst v63  }
0x7f: {  	s0 =	simm.s32 @p1 $0x3  }
0x80: {  	_ =	swait.ge @p1 [sflag:s0], $0x1000  }
0x81: {  	s3 =	sadd.s32 $0x1, s3;
	[sflag:s0] =	ssyncset.done @p1 $0x0  }
0x82: {  	p3 =	sne.s32 s3, s14;
	[sflag:s0] =	ssyncadd.s32 @p1 $0xFFFFF000  }
.Ltmp1:
0x83: {  	[bflag:$0x0] =	sbarrier.arrive $0xFFFF;
	(pc) =	sbr.rel @p3 .LBB2_1-.Ltmp1, $4  }
0x84: {  	[hbm:s13], [sflag:s6] =	dma.local [spmem:s15], $0x9E0  }
0x85: {  	_ =	swait.ge [sflag:s16], $0x9E0  }
0x86: {  	[sflag:s16] =	ssyncset.done $0x0  }
0x87: {  	[sflag:s16] =	ssyncadd.s32 $0xFFFFF620  }
0x88: {  	_ =	sfence.sel $0x180000  }
0x89: {  	[bflag:$0x0] =	sbarrier.arrive $0xFFFF  }
0x8a: {  	_ =	strace $0x9000004A  }
0x8b: {  	s0 =	stileid.u32;
	[bflag:$0x2] =	sbarrier.arrive $0xFFFF  }
0x8c: {  	p0 =	sne.s32 s0, $0x0;
	s0 =	rddreg [dreg:$0x3]  }
0x8d: {  	s0 =	sadd.s32 @!p0 $0x100000, s0  }
0x8e: {  	[sflag:s0] =	ssyncadd.tile.s32 @!p0 $0x1;
	_ =	shalt  }
.Lfunc_end2:
_tile_overlayer_lowered:
.L_overlay_start_2:
0x8f: {  	(tag) =	ssettag $0x2  }
0x90: {  	s0 =	rddreg [dreg:$0x0];
	s2 =	stileid.u32  }
0x91: {  	s1 =	rddreg [dreg:$0x1];
	p0 =	sne.s32 s2, $0x0  }
0x92: {  	s3 =	rddreg [dreg:$0x2];
	[bflag:$0x3] =	sbarrier.arrive $0xFFFF;
	s2 =	simm.s32 @!p0 $0x1C05  }
0x93: {  	[timem:s3], [sflag:s2] =	dma.local @!p0 [hbm:s0], s1  }
0x94: {  	s0 =	simm.s32 @!p0 $0x5  }
0x95: {  	_ =	swait.ge @!p0 [sflag:s0], s1  }
0x96: {  	s1 =	ssub.s32 @!p0 $0x0, s1;
	[sflag:s0] =	ssyncset.done @!p0 $0x0  }
0x97: {  	[sflag:s0] =	ssyncadd.s32 @!p0 s1  }
0x98: {  	[bflag:$0x3] =	sbarrier.arrive $0xFFFF  }
0x99: {  	_ =	shalt  }

// kernel: kernel.7.cloned.1.call-start
scs
__scs_entry_jumppad:
0x0: {  	(pc) =	sbr.rel $0x88, $3  }
0x1: {  	(tag) =	ssettag $0x0;
	lr =	simm.s32 $0x1  }
0x2: {  	[smem:$0x3F95] =	sst lr;
	_ =	strace $0xD0000000  }
0x3: {  	_ = 	snop  }
0x4: {  	_ = 	snop  }
0x5: {  	_ = 	snop  }
0x6: {  	_ = 	snop  }
0x7: {  	_ = 	snop  }
__scs_overlays_trampoline_lowered:
0x8: {  	[smem:$0x3FA4] =	sst s0  }
0x9: {  	[smem:$0x3FA5] =	sst s1  }
0xa: {  	[smem:$0x3FA6] =	sst s2  }
0xb: {  	[smem:$0x3FA7] =	sst s3  }
0xc: {  	[smem:$0x3FA8] =	sst s4  }
0xd: {  	[smem:$0x3FA9] =	sst s5  }
0xe: {  	[smem:$0x3FAA] =	sst s6  }
0xf: {  	[smem:$0x3FAB] =	sst s7  }
0x10: {  	[smem:$0x3FAC] =	sst s8  }
0x11: {  	[smem:$0x3FAD] =	sst s9;
	s0 =	simm.s32 @!p0 $0x0  }
0x12: {  	s1 =	sld [smem:$0x3F93];
	s0 =	simm.s32 @p0 $0x1  }
0x13: {  	[smem:$0x3FAE] =	sst s0;
	s0 =	simm.s32 @!p1 $0x0  }
0x14: {  	s2 =	sld [smem:$0x3F92];
	s0 =	simm.s32 @p1 $0x1  }
0x15: {  	[smem:$0x3FAF] =	sst s0;
	s0 =	simm.s32 @!p2 $0x0  }
0x16: {  	s3 =	sld [smem:$0x3FDB];
	s0 =	simm.s32 @p2 $0x1  }
0x17: {  	s4 =	simm.s32 $0x1BF5;
	[smem:$0x3FB1] =	sst s0  }
0x18: {  	s0 =	sld [smem:$0x3F94];
	_ =	swait.ge [sflag:s4], $0x0  }
0x19: {  	s7 =	sld [smem:$0x3F95]  }
0x1a: {  	s8 =	sadd.s32 $0xFFFFE003, lr  }
0x1b: {  	s9 =	sadd.s32 $0xFFFFFEF7, lr;
	s5 =	simm.s32 $0xFFFFFFFF;
	p2 =	slt.u32 s8, $0xFFFFF086  }
0x1c: {  	p1 =	slt.u32 s9, $0xF7A;
	s5 =	simm.s32 @!p2 $0x0  }
0x1d: {  	s5 =	simm.s32 @p1 $0x1;
	p0 =	seq.s32 s7, s2  }
0x1e: {  	s7 =	smul.u32 @!p0 $0xF7A, s2;
	p2 =	seq.s32 @!p0 s5, $0x0  }
0x1f: {  	s9 =	smul.u32 $0xF7A, s1;
	s8 =	simm.s32 @!p0 $0x1BF5;
	p2 =	por !p2, p0  }
0x20: {  	[sflag:s8] =	ssyncset.s32 @!p0 $0xFFFFF086;
	s6 =	sadd.s32 @!p0 s3, s7;
	s7 =	simm.s32 @!p0 $0x108  }
0x21: {  	s3 =	sadd.s32 s3, s9;
	s6 =	sadd.s32 @!p0 $0x88, s6;
	s7 =	simm.s32 @p2 $0x1082  }
0x22: {  	[simem:s7], [sflag:s8] =	dma.local @!p0 [hbm:s6], $0xF7A  }
0x23: {  	s9 =	sor.u32 $0xD0000000, s2;
	s6 =	simm.s32 $0x108;
	_ =	swait.ge @!p0 [sflag:s8], $0x0  }
0x24: {  	s3 =	sadd.s32 $0x88, s3;
	s6 =	simm.s32 @!p1 $0x1082;
	[sflag:s4] =	ssyncset.s32 $0xFFFFF086  }
0x25: {  	[simem:s6], [sflag:s4] =	dma.local [hbm:s3], $0xF7A  }
0x26: {  	[smem:$0x3F95] =	sst s1;
	(tag) =	ssettag s2;
	_ =	strace s9  }
0x27: {  	s1 =	sld [smem:$0x3FA5]  }
0x28: {  	s2 =	sld [smem:$0x3FA6]  }
0x29: {  	s4 =	sld [smem:$0x3FA8]  }
0x2a: {  	p0 =	seq.s32 s5, $0x0;
	s5 =	sld [smem:$0x3FA9]  }
0x2b: {  	s6 =	sld [smem:$0x3FAA]  }
0x2c: {  	s7 =	sld [smem:$0x3FAB]  }
0x2d: {  	s3 =	simm.s32 $0x108;
	s8 =	sld [smem:$0x3FAC]  }
0x2e: {  	s3 =	simm.s32 @!p0 $0x1082;
	s9 =	sld [smem:$0x3FAD]  }
0x2f: {  	lr =	sadd.s32 s0, s3;
	s0 =	sld [smem:$0x3FA4]  }
0x30: {  	s3 =	sld [smem:$0x3FA7]  }
0x31: {  	[smem:$0x3FB0] =	sst s10  }
0x32: {  	s10 =	sld [smem:$0x3FAE];
	_ =	sdelay $0x3  }
0x33: {  	p0 =	seq.s32 s10, $0x1;
	s10 =	sld [smem:$0x3FB0];
	_ =	sdelay $0x3  }
0x34: {  	[smem:$0x3FB0] =	sst s10  }
0x35: {  	s10 =	sld [smem:$0x3FAF];
	_ =	sdelay $0x3  }
0x36: {  	p1 =	seq.s32 s10, $0x1;
	s10 =	sld [smem:$0x3FB0];
	_ =	sdelay $0x3  }
0x37: {  	[smem:$0x3FB0] =	sst s10  }
0x38: {  	s10 =	sld [smem:$0x3FB1]  }
0x39: {  	_ = 	snop;
	(pc) =	sbr.ind lr, $3  }
0x3a: {  	_ = 	snop  }
0x3b: {  	_ = 	snop  }
0x3c: {  	p2 =	seq.s32 s10, $0x1;
	s10 =	sld [smem:$0x3FB0]  }
0x3d: {  	_ =	shalt  }
0x3e: {  	_ =	shalt  }
0x3f: {  	_ =	shalt  }
0x40: {  	_ =	shalt  }
0x41: {  	_ =	shalt  }
0x42: {  	_ =	shalt  }
0x43: {  	_ =	shalt  }
0x44: {  	_ =	shalt  }
0x45: {  	_ =	shalt  }
0x46: {  	_ =	shalt  }
0x47: {  	_ =	shalt  }
0x48: {  	_ =	shalt  }
0x49: {  	_ =	shalt  }
0x4a: {  	_ =	shalt  }
0x4b: {  	_ =	shalt  }
0x4c: {  	_ =	shalt  }
0x4d: {  	_ =	shalt  }
0x4e: {  	_ =	shalt  }
0x4f: {  	_ =	shalt  }
0x50: {  	_ =	shalt  }
0x51: {  	_ =	shalt  }
0x52: {  	_ =	shalt  }
0x53: {  	_ =	shalt  }
0x54: {  	_ =	shalt  }
0x55: {  	_ =	shalt  }
0x56: {  	_ =	shalt  }
0x57: {  	_ =	shalt  }
0x58: {  	_ =	shalt  }
0x59: {  	_ =	shalt  }
0x5a: {  	_ =	shalt  }
0x5b: {  	_ =	shalt  }
0x5c: {  	_ =	shalt  }
0x5d: {  	_ =	shalt  }
0x5e: {  	_ =	shalt  }
0x5f: {  	_ =	shalt  }
0x60: {  	_ =	shalt  }
0x61: {  	_ =	shalt  }
0x62: {  	_ =	shalt  }
0x63: {  	_ =	shalt  }
0x64: {  	_ =	shalt  }
0x65: {  	_ =	shalt  }
0x66: {  	_ =	shalt  }
0x67: {  	_ =	shalt  }
0x68: {  	_ =	shalt  }
0x69: {  	_ =	shalt  }
0x6a: {  	_ =	shalt  }
0x6b: {  	_ =	shalt  }
0x6c: {  	_ =	shalt  }
0x6d: {  	_ =	shalt  }
0x6e: {  	_ =	shalt  }
0x6f: {  	_ =	shalt  }
0x70: {  	_ =	shalt  }
0x71: {  	_ =	shalt  }
0x72: {  	_ =	shalt  }
0x73: {  	_ =	shalt  }
0x74: {  	_ =	shalt  }
0x75: {  	_ =	shalt  }
0x76: {  	_ =	shalt  }
0x77: {  	_ =	shalt  }
0x78: {  	_ =	shalt  }
0x79: {  	_ =	shalt  }
0x7a: {  	_ =	shalt  }
0x7b: {  	_ =	shalt  }
0x7c: {  	_ =	shalt  }
0x7d: {  	_ =	shalt  }
0x7e: {  	_ =	shalt  }
0x7f: {  	_ =	shalt  }
0x80: {  	_ =	shalt  }
0x81: {  	_ =	shalt  }
0x82: {  	_ =	shalt  }
0x83: {  	_ =	shalt  }
0x84: {  	_ =	shalt  }
0x85: {  	_ =	shalt  }
0x86: {  	_ =	shalt  }
0x87: {  	_ =	shalt  }
.Lfunc_end0:
.L_simem_size_0:
called_computation_lowered:
.L_overlay_start_0:
0x88: {  	s2 =	sld [smem:$0x3FD9]  }
0x89: {  	s3 =	sld [smem:$0x3FFE];
	_ =	sdelay $0x1  }
0x8a: {  	s1 =	srdreg.scid  }
0x8b: {  	s0 =	sand.u32 $0x1, s1  }
0x8c: {  	s17 =	sshll.u32 s0, $0xA;
	s2 =	sadd.s32 s3, s2  }
0x8d: {  	s2 =	sadd.s32 s2, s17  }
0x8e: {  	[smem:$0x3FBC] =	sst s2  }
0x8f: {  	_ = 	snop  }
0x90: {  	s2 =	sld [smem:$0x3FD0];
	(tm) =	ssettm $0x1  }
0x91: {  	s18 =	sld [smem:$0x3FFB];
	_ =	sdelay $0x3  }
0x92: {  	_ =	strace s18  }
0x93: {  	s3 =	sld [smem:$0x3FFC];
	_ =	sdelay $0x3  }
0x94: {  	_ =	strace s3  }
0x95: {  	s3 =	sld [smem:$0x3FFD];
	_ =	sdelay $0x3  }
0x96: {  	_ =	strace s3  }
0x97: {  	_ =	strace $0x8FFFFFFF  }
0x98: {  	s19 =	sld [smem:$0x3FDB];
	_ =	sdelay $0x1  }
0x99: {  	s4 =	simm.s32 $_scs_section_size  }
0x9a: {  	s5 =	simm.s32 $_size__tile_overlayer_lowered;
	s6 =	simm.s32 $_tile_overlayer_lowered  }
0x9b: {  	s22 =	simm.s32 $0x1BFF;
	s21 =	sshll.u32 s6, $0x1;
	s3 =	sadd.s32 s4, s19  }
0x9c: {  	s7 =	simm.s32 $0x0;
	s20 =	sshll.u32 s5, $0x1;
	s5 =	sadd.s32 s21, s3  }
0x9d: {  	[timem:s7], [sflag:s22] =	dma.local [hbm:s5], s20  }
0x9e: {  	_ =	swait.ge [sflag:s22], s20  }
0x9f: {  	s4 =	ssub.s32 $0x0, s20;
	[sflag:s22] =	ssyncset.done $0x0  }
0xa0: {  	[sflag:s22] =	ssyncadd.s32 s4;
	_ =	sdelay $0x1  }
0xa1: {  	s23 =	simm.s32 $0x1B8B  }
0xa2: {  	_ =	swait.ge [sflag:s23], $0x1  }
0xa3: {  	[sflag:s23] =	ssyncset.done $0x0  }
0xa4: {  	s25 =	simm.s32 $0x1B8E;
	s24 =	sld [smem:$0x3FFE];
	[sflag:s23] =	ssyncadd.s32 $0xFFFFFFFF  }
0xa5: {  	s26 =	simm.s32 $execute0_lowered;
	[smem:$0x3FD2] =	sst s25  }
0xa6: {  	s5 =	sshll.u32 s26, $0x1;
	_ =	strace $0x80000046;
	[dreg:$0x1] =	wrdreg $0xFFFFFFFF  }
0xa7: {  	s28 =	simm.s32 $_size_execute0_lowered;
	s3 =	sadd.s32 s3, s5;
	[dreg:$0x0] =	wrdreg $0x0  }
0xa8: {  	s5 =	sshll.u32 s28, $0x1;
	[dreg:$0x2] =	wrdreg s3  }
0xa9: {  	[dreg:$0x3] =	wrdreg s5  }
0xaa: {  	[dreg:$0x4] =	wrdreg $0xC0  }
0xab: {  	_ =	task [dreg:s7], $0x5FFFF  }
0xac: {  	[dreg:$0x1] =	wrdreg $0xFFFFFFFF  }
0xad: {  	[dreg:$0x0] =	wrdreg $0x60  }
0xae: {  	[dreg:$0x2] =	wrdreg s2  }
0xaf: {  	[dreg:$0x3] =	wrdreg s24  }
0xb0: {  	[dreg:$0x4] =	wrdreg $0x0  }
0xb1: {  	[dreg:$0x5] =	wrdreg $0x12D000  }
0xb2: {  	[dreg:$0x6] =	wrdreg $0x9  }
0xb3: {  	_ =	task.clear_ibuf [dreg:s7], $0x7FFFF;
	_ =	strace $0x90000046  }
0xb4: {  	s29 =	simm.s32 $0x9;
	_ =	strace $0x80000048  }
0xb5: {  	_ =	swait.ge [sflag:s29], $0x1  }
0xb6: {  	[sflag:s29] =	ssyncadd.s32 $0xFFFFFFFF  }
0xb7: {  	_ =	strace $0x90000048  }
0xb8: {  	_ =	sfence  }
0xb9: {  	s30 =	sld [smem:$0x0];
	_ =	sdelay $0x2  }
0xba: {  	s31 =	sshll.u32 s1, $0xD;
	s1 =	sshrl.u32 s1, $0x2  }
0xbb: {  	s3 =	sand.u32 $0x4000, s31;
	s1 =	sadd.s32 s1, s30  }
0xbc: {  	s0 =	sor.u32 s3, s0;
	s1 =	sshll.u32 s1, $0x11  }
0xbd: {  	s0 =	sor.u32 s1, s0  }
0xbe: {  	s0 =	sadd.s32 $0x8F2B, s0  }
0xbf: {  	[sflag:s0] =	ssyncadd.remote.s32 $0x1  }
0xc0: {  	_ =	sfence.sel $0xFFFF  }
0xc1: {  	[dreg:$0x0] =	wrdreg $0xFFFFFFFF;
	(pc) =	sbr.abs _section_cstart, $3  }
0xc2: {  	[dreg:$0x1] =	wrdreg $0xFFFFFFFF  }
0xc3: {  	_ =	task.clear_ibuf [dreg:s7], $0x2FFFF;
	_ =	strace $0x9FFFFFFF  }
0xc4: {  	(tm) =	ssettm $0x7FFFFFFF  }
0xc5: {  	_ =	shalt  }
tec
execute0_lowered:
.L_overlay_start_1:
0x0: {  	(tag) =	ssettag $0x1  }
0x1: {  	s1 =	rddreg [dreg:$0x0]  }
0x2: {  	s0 =	rddreg [dreg:$0x1]  }
0x3: {  	s3 =	rddreg [dreg:$0x2]  }
0x4: {  	s4 =	rddreg [dreg:$0x3]  }
0x5: {  	s22 =	stileid.u32;
	s5 =	srdreg.scid;
	s7 =	simm.s32 $0x0  }
0x6: {  	s28 =	simm.s32 $0x1;
	s29 =	simm.s32 $0x3;
	s2 =	smul.u32 $0x9E00, s22  }
0x7: {  	s30 =	simm.s32 $0x5;
	s31 =	simm.s32 $0x2;
	s6 =	smul.u32 $0x2780, s22  }
0x8: {  	s5 =	sand.u32 $0x1, s5;
	[smem:$0x7FF] =	sst s7;
	s13 =	smul.u32 $0x4E, s22  }
0x9: {  	s9 =	sadd.s32 $0x2800, s0;
	s12 =	sadd.s32 $0x2EE00, s0;
	s23 =	smul.u32 $0x2700, s22  }
0xa: {  	s14 =	smin.u32 s22, $0x4;
	p1 =	slt.u32 s22, $0x4;
	s24 =	smul.u32 $0x4E0, s22  }
0xb: {  	s21 =	sshll.u32 s22, $0x6;
	s17 =	smul.u32 $0x9E000, s5;
	_ =	strace $0x80000047  }
0xc: {  	s11 =	smul.u32 $0x27800, s5;
	[dreg:$0x5] =	wrdreg s12;
	s18 =	ssub.s32 $0x2, s5  }
0xd: {  	p0 =	seq.s32 s5, $0x1;
	s8 =	sshrl.u32 s2, $0x3;
	s10 =	sshrl.u32 s6, $0x3  }
0xe: {  	s19 =	sshrl.u32 s18, $0x1;
	s20 =	sadd.s32 s14, s13;
	p1 =	por !p0, !p1  }
0xf: {  	s25 =	sshrl.u32 s23, $0x3;
	p2 =	sgt.u32 @p0 s22, $0x3;
	s22 =	simm.s32 $0x15480  }
0x10: {  	s23 =	simm.s32 $0x80;
	s7 =	sadd.s32 s2, s17;
	s8 =	sadd.s32 s8, s0  }
0x11: {  	s10 =	sadd.s32 s10, s0;
	s11 =	sadd.s32 s6, s11;
	s19 =	ssub.s32 s18, s19  }
0x12: {  	s5 =	sshll.u32 s20, $0x4;
	p1 =	por !p1, !p1;
	s2 =	sadd.s32 s2, s3  }
0x13: {  	s6 =	sadd.s32 s6, s4;
	s12 =	sadd.s32 s9, s25;
	p2 =	por p2, !p0  }
0x14: {  	s25 =	simm.s32 $0xED00;
	s7 =	sshrl.u32 s7, $0x3;
	s11 =	sshrl.u32 s11, $0x3  }
0x15: {  	s8 =	sadd.s32 $0x16200, s8;
	[dreg:$0x7] =	wrdreg s6;
	s10 =	sadd.s32 $0x29E00, s10  }
0x16: {  	s5 =	sadd.s32 s9, s5;
	s6 =	sadd.s32 s9, s24;
	s26 =	sadd.s32 $0x9C40, s12  }
0x17: {  	s19 =	smax.u32 s19, $0x1;
	s20 =	sshrl.u32 s2, $0x3;
	[dreg:$0x6] =	wrdreg s8  }
0x18: {  	s24 =	simm.s32 $0xEC00;
	s2 =	simm.s32 $0x0;
	[dreg:$0x8] =	wrdreg s10  }
0x19: {  	s7 =	sadd.s32 s7, s0;
	s0 =	sadd.s32 s11, s0;
	[dreg:$0x9] =	wrdreg s6  }
0x1a: {  	s8 =	sadd.s32 $0x1C06, s21;
	[dreg:$0xa] =	wrdreg s26;
	s13 =	sadd.s32 $0x4E00, s5  }
0x1b: {  	s14 =	sadd.s32 $0xEA40, s5;
	s15 =	sadd.s32 $0x52E0, s5;
	s16 =	sadd.s32 $0xEF20, s5  }
0x1c: {  	s21 =	simm.s32 $0x6;
	s26 =	simm.s32 $0x10D00;
	s5 =	simm.s32 $0xEB80  }
0x1d: {  	s17 =	sadd.s32 $0x38E00, s7;
	s18 =	sadd.s32 $0x2F000, s0;
	s0 =	simm.s32 $0x4  }
.LBB2_1:
0x1e: {  	s6 =	rddreg [dreg:$0x6]  }
0x1f: {  	[spmem:s20], [sflag:s8] =	dma.local [hbm:s6], $0x13C0  }
0x20: {  	_ =	swait.ge [sflag:s21], $0x13C0  }
0x21: {  	[sflag:s21] =	ssyncset.done $0x0;
	s10 =	rddreg [dreg:$0x7]  }
0x22: {  	s7 =	rddreg [dreg:$0x8];
	[sflag:s21] =	ssyncadd.s32 $0xFFFFEC40;
	s6 =	sshrl.u32 s10, $0x3  }
0x23: {  	[spmem:s6], [sflag:s8] =	dma.local [hbm:s7], $0x4F0  }
0x24: {  	_ =	swait.ge [sflag:s21], $0x4F0  }
0x25: {  	[sflag:s21] =	ssyncset.done $0x0  }
0x26: {  	s11 =	simm.s32 $0x0;
	s9 =	rddreg [dreg:$0x5];
	[sflag:s21] =	ssyncadd.s32 $0xFFFFFB10  }
0x27: {  	[tilespmem:s22], [sflag:$0x6] =	stream.linear.gather [hbm4b:s9+s11], $0x800, $0x38;
	[tilespmem:$0x15C80] =	vst v63  }
0x28: {  	_ =	swait.ge [sflag:s21], $0x800  }
0x29: {  	[sflag:s21] =	ssyncset.done $0x0  }
0x2a: {  	s7 =	simm.s32 @p0 $0x0;
	s9 =	simm.s32 @p0 $0x9E00;
	[sflag:s21] =	ssyncadd.s32 $0xFFFFF800  }
0x2b: {  	[tilespmem:s9], [sflag:$0x6] =	stream.linear.gather @p0 [hbm4b:s13+s7], $0x2700, $0x38;
	[tilespmem:$0x15C80] =	vst v63  }
0x2c: {  	s9 =	simm.s32 @p0 $0x6  }
0x2d: {  	_ =	swait.ge @p0 [sflag:s9], $0x2700  }
0x2e: {  	[sflag:s9] =	ssyncset.done @p0 $0x0  }
0x2f: {  	s10 =	simm.s32 @p0 $0xC580;
	[sflag:s9] =	ssyncadd.s32 @p0 $0xFFFFD900  }
0x30: {  	[tilespmem:s10], [sflag:$0x6] =	stream.linear.gather @p0 [hbm4b:s14+s7], $0x2700, $0x38;
	[tilespmem:$0x15C80] =	vst v63  }
0x31: {  	_ =	swait.ge @p0 [sflag:s9], $0x2700  }
0x32: {  	[sflag:s9] =	ssyncset.done @p0 $0x0  }
0x33: {  	s7 =	simm.s32 @!p2 $0x0;
	[sflag:s9] =	ssyncadd.s32 @p0 $0xFFFFD900;
	s9 =	simm.s32 @!p2 $0xC500  }
0x34: {  	[tilespmem:s9], [sflag:$0x6] =	stream.linear.gather @!p2 [hbm4b:s15+s7], $0x80, $0x38;
	[tilespmem:$0x15C80] =	vst v63  }
0x35: {  	s9 =	simm.s32 @!p2 $0x6  }
0x36: {  	_ =	swait.ge @!p2 [sflag:s9], $0x80  }
0x37: {  	[sflag:s9] =	ssyncset.done @!p2 $0x0  }
0x38: {  	s10 =	simm.s32 @!p2 $0xEC80;
	[sflag:s9] =	ssyncadd.s32 @!p2 $0xFFFFFF80  }
0x39: {  	[tilespmem:s10], [sflag:$0x6] =	stream.linear.gather @!p2 [hbm4b:s16+s7], $0x80, $0x38;
	[tilespmem:$0x15C80] =	vst v63  }
0x3a: {  	_ =	swait.ge @!p2 [sflag:s9], $0x80  }
0x3b: {  	s7 =	simm.s32 @!p0 $0x0;
	[sflag:s9] =	ssyncset.done @!p2 $0x0  }
0x3c: {  	s10 =	rddreg [dreg:$0x9];
	[sflag:s9] =	ssyncadd.s32 @!p2 $0xFFFFFF80;
	s9 =	simm.s32 @!p0 $0x9E00  }
0x3d: {  	[tilespmem:s9], [sflag:$0x6] =	stream.linear.gather @!p0 [hbm4b:s10+s7], $0x2700, $0x38;
	[tilespmem:$0x15C80] =	vst v63  }
0x3e: {  	s9 =	simm.s32 @!p0 $0x6  }
0x3f: {  	_ =	swait.ge @!p0 [sflag:s9], $0x2700  }
0x40: {  	[sflag:s9] =	ssyncset.done @!p0 $0x0  }
0x41: {  	s10 =	simm.s32 @!p0 $0xC580;
	s11 =	rddreg [dreg:$0xa];
	[sflag:s9] =	ssyncadd.s32 @!p0 $0xFFFFD900  }
0x42: {  	[tilespmem:s10], [sflag:$0x6] =	stream.linear.gather @!p0 [hbm4b:s11+s7], $0x2700, $0x38;
	[tilespmem:$0x15C80] =	vst v63  }
0x43: {  	_ =	swait.ge @!p0 [sflag:s9], $0x2700  }
0x44: {  	[sflag:s9] =	ssyncset.done @!p0 $0x0  }
0x45: {  	[sflag:s9] =	ssyncadd.s32 @!p0 $0xFFFFD900  }
0x46: {  	s12 =	simm.s32 $0x9E00;
	[bflag:$0x0] =	sbarrier.arrive $0xFFFF  }
0x47: {  	[tilespmem:s25], [sflag:$0x1] =	stream.indirect.gather [hbm4b:s1+s23], $0x40, s12, s23, $0xb8;
	[tilespmem:$0x15C80] =	vst v63  }
0x48: {  	s9 =	simm.s32 $0x9E80  }
0x49: {  	[tilespmem:s26], [sflag:$0x2] =	stream.indirect.gather [hbm4b:s1+s23], $0x40, s9, s23, $0xb8;
	[tilespmem:$0x15C80] =	vst v63  }
0x4a: {  	_ =	swait.ge [sflag:s28], $0x2000  }
0x4b: {  	[sflag:s28] =	ssyncset.done $0x0  }
0x4c: {  	s10 =	simm.s32 $0xC580;
	[sflag:s28] =	ssyncadd.s32 $0xFFFFE000  }
0x4d: {  	[spmem:s4] =	stream.indirect.scatter.add.f32 [tilespmem:s22], [sflag:$0x5], $0x10, s10, s23, $0xb8;
	[tilespmem:$0x15C80] =	vst v63  }
0x4e: {  	_ = 	snop  }
0x4f: {  	[spmem:s3] =	stream.indirect.scatter.add.f32 [tilespmem:s25], [sflag:$0x3], $0x40, s10, s23, $0xb8;
	[tilespmem:$0x15C80] =	vst v63  }
0x50: {  	_ =	swait.ge [sflag:s29], $0x2000  }
0x51: {  	[sflag:s29] =	ssyncset.done $0x0  }
0x52: {  	[sflag:s29] =	ssyncadd.s32 $0xFFFFE000  }
0x53: {  	_ =	swait.ge [sflag:s30], $0x800  }
0x54: {  	[sflag:s30] =	ssyncset.done $0x0  }
0x55: {  	s11 =	simm.s32 $0x9F00;
	[sflag:s30] =	ssyncadd.s32 $0xFFFFF800  }
0x56: {  	[tilespmem:s25], [sflag:$0x1] =	stream.indirect.gather [hbm4b:s1+s23], $0x40, s11, s23, $0xb8;
	[tilespmem:$0x15C80] =	vst v63  }
0x57: {  	_ =	swait.ge [sflag:s31], $0x2000  }
0x58: {  	[sflag:s31] =	ssyncset.done $0x0  }
0x59: {  	s12 =	simm.s32 $0xC600;
	[sflag:s31] =	ssyncadd.s32 $0xFFFFE000  }
0x5a: {  	[spmem:s4] =	stream.indirect.scatter.add.f32 [tilespmem:s22], [sflag:$0x5], $0x10, s12, s23, $0xb8;
	[tilespmem:$0x15C80] =	vst v63  }
0x5b: {  	_ = 	snop  }
0x5c: {  	[spmem:s3] =	stream.indirect.scatter.add.f32 [tilespmem:s26], [sflag:$0x4], $0x40, s12, s23, $0xb8;
	[tilespmem:$0x15C80] =	vst v63  }
0x5d: {  	_ =	swait.ge [sflag:s0], $0x2000  }
0x5e: {  	[sflag:s0] =	ssyncset.done $0x0  }
0x5f: {  	[sflag:s0] =	ssyncadd.s32 $0xFFFFE000  }
0x60: {  	_ =	swait.ge [sflag:s30], $0x800  }
0x61: {  	s7 =	simm.s32 $0x100;
	s9 =	simm.s32 $0x800;
	[sflag:s30] =	ssyncset.done $0x0  }
.LBB2_2:
0x62: {  	s10 =	sadd.s32 $0x9E80, s7  }
0x63: {  	[sflag:s30] =	ssyncadd.s32 $0xFFFFF800;
	s11 =	smov.u32 s9;
	s12 =	sadd.s32 $0x400, s9  }
0x64: {  	[tilespmem:s26], [sflag:$0x2] =	stream.indirect.gather [hbm4b:s1+s23], $0x40, s10, s23, $0xb8;
	[tilespmem:$0x15C80] =	vst v63  }
0x65: {  	p3 =	sne.s32 s9, $0x9400;
	_ =	swait.ge [sflag:s28], $0x2000  }
0x66: {  	[sflag:s28] =	ssyncset.done $0x0  }
0x67: {  	s9 =	sadd.s32 $0xC580, s7;
	[sflag:s28] =	ssyncadd.s32 $0xFFFFE000  }
0x68: {  	[spmem:s4] =	stream.indirect.scatter.add.f32 [tilespmem:s22], [sflag:$0x5], $0x10, s9, s23, $0xb8;
	[tilespmem:$0x15C80] =	vst v63  }
0x69: {  	_ = 	snop  }
0x6a: {  	[spmem:s3] =	stream.indirect.scatter.add.f32 [tilespmem:s25], [sflag:$0x3], $0x40, s9, s23, $0xb8;
	[tilespmem:$0x15C80] =	vst v63  }
0x6b: {  	_ =	swait.ge [sflag:s29], $0x2000  }
0x6c: {  	[sflag:s29] =	ssyncset.done $0x0  }
0x6d: {  	[sflag:s29] =	ssyncadd.s32 $0xFFFFE000  }
0x6e: {  	_ =	swait.ge [sflag:s30], $0x800  }
0x6f: {  	[sflag:s30] =	ssyncset.done $0x0  }
0x70: {  	s9 =	sadd.s32 $0x9F00, s7;
	[sflag:s30] =	ssyncadd.s32 $0xFFFFF800  }
0x71: {  	[tilespmem:s25], [sflag:$0x1] =	stream.indirect.gather [hbm4b:s1+s23], $0x40, s9, s23, $0xb8;
	[tilespmem:$0x15C80] =	vst v63  }
0x72: {  	_ =	swait.ge [sflag:s31], $0x2000  }
0x73: {  	[sflag:s31] =	ssyncset.done $0x0  }
0x74: {  	s7 =	sadd.s32 $0xC600, s7;
	[sflag:s31] =	ssyncadd.s32 $0xFFFFE000  }
0x75: {  	[spmem:s4] =	stream.indirect.scatter.add.f32 [tilespmem:s22], [sflag:$0x5], $0x10, s7, s23, $0xb8;
	[tilespmem:$0x15C80] =	vst v63  }
0x76: {  	_ = 	snop  }
0x77: {  	[spmem:s3] =	stream.indirect.scatter.add.f32 [tilespmem:s26], [sflag:$0x4], $0x40, s7, s23, $0xb8;
	[tilespmem:$0x15C80] =	vst v63  }
.Ltmp0:
0x78: {  	_ =	swait.ge [sflag:s0], $0x2000;
	(pc) =	sbr.rel @p3 .LBB2_2-.Ltmp0, $4  }
0x79: {  	[sflag:s0] =	ssyncset.done $0x0  }
0x7a: {  	[sflag:s0] =	ssyncadd.s32 $0xFFFFE000  }
0x7b: {  	_ =	swait.ge [sflag:s30], $0x800  }
0x7c: {  	s9 =	smov.u32 s12;
	s7 =	sshra.s32 s11, $0x2;
	[sflag:s30] =	ssyncset.done $0x0  }
0x7d: {  	s9 =	sadd.s32 $0x9E80, s7;
	[sflag:s30] =	ssyncadd.s32 $0xFFFFF800  }
0x7e: {  	[tilespmem:s26], [sflag:$0x2] =	stream.indirect.gather [hbm4b:s1+s23], $0x40, s9, s23, $0xb8;
	[tilespmem:$0x15C80] =	vst v63  }
0x7f: {  	_ =	swait.ge [sflag:s28], $0x2000  }
0x80: {  	[sflag:s28] =	ssyncset.done $0x0  }
0x81: {  	s12 =	sadd.s32 $0xC580, s7;
	[sflag:s28] =	ssyncadd.s32 $0xFFFFE000  }
0x82: {  	[spmem:s4] =	stream.indirect.scatter.add.f32 [tilespmem:s22], [sflag:$0x5], $0x10, s12, s23, $0xb8;
	[tilespmem:$0x15C80] =	vst v63  }
0x83: {  	_ = 	snop  }
0x84: {  	[spmem:s3] =	stream.indirect.scatter.add.f32 [tilespmem:s25], [sflag:$0x3], $0x40, s12, s23, $0xb8;
	[tilespmem:$0x15C80] =	vst v63  }
0x85: {  	_ =	swait.ge [sflag:s29], $0x2000  }
0x86: {  	[sflag:s29] =	ssyncset.done $0x0  }
0x87: {  	[sflag:s29] =	ssyncadd.s32 $0xFFFFE000  }
0x88: {  	_ =	swait.ge [sflag:s30], $0x800  }
0x89: {  	[sflag:s30] =	ssyncset.done $0x0  }
0x8a: {  	s10 =	sadd.s32 $0x9F00, s7;
	[sflag:s30] =	ssyncadd.s32 $0xFFFFF800  }
0x8b: {  	[tilespmem:s25], [sflag:$0x1] =	stream.indirect.gather [hbm4b:s1+s23], $0x40, s10, s23, $0xb8;
	[tilespmem:$0x15C80] =	vst v63  }
0x8c: {  	_ =	swait.ge [sflag:s31], $0x2000  }
0x8d: {  	[sflag:s31] =	ssyncset.done $0x0  }
0x8e: {  	s11 =	sadd.s32 $0xC600, s7;
	[sflag:s31] =	ssyncadd.s32 $0xFFFFE000  }
0x8f: {  	[spmem:s4] =	stream.indirect.scatter.add.f32 [tilespmem:s22], [sflag:$0x5], $0x10, s11, s23, $0xb8;
	[tilespmem:$0x15C80] =	vst v63  }
0x90: {  	_ = 	snop  }
0x91: {  	[spmem:s3] =	stream.indirect.scatter.add.f32 [tilespmem:s26], [sflag:$0x4], $0x40, s11, s23, $0xb8;
	[tilespmem:$0x15C80] =	vst v63  }
0x92: {  	_ =	swait.ge [sflag:s0], $0x2000  }
0x93: {  	[sflag:s0] =	ssyncset.done $0x0  }
0x94: {  	[sflag:s0] =	ssyncadd.s32 $0xFFFFE000  }
0x95: {  	_ =	swait.ge [sflag:s30], $0x800  }
0x96: {  	[sflag:s30] =	ssyncset.done $0x0  }
0x97: {  	s12 =	simm.s32 $0xC480;
	[sflag:s30] =	ssyncadd.s32 $0xFFFFF800  }
0x98: {  	[tilespmem:s26], [sflag:$0x2] =	stream.indirect.gather [hbm4b:s1+s23], $0x40, s12, s23, $0xb8;
	[tilespmem:$0x15C80] =	vst v63  }
0x99: {  	_ =	swait.ge [sflag:s28], $0x2000  }
0x9a: {  	[sflag:s28] =	ssyncset.done $0x0  }
0x9b: {  	[sflag:s28] =	ssyncadd.s32 $0xFFFFE000  }
0x9c: {  	[spmem:s4] =	stream.indirect.scatter.add.f32 [tilespmem:s22], [sflag:$0x5], $0x10, s5, s23, $0xb8;
	[tilespmem:$0x15C80] =	vst v63  }
0x9d: {  	_ = 	snop  }
0x9e: {  	[spmem:s3] =	stream.indirect.scatter.add.f32 [tilespmem:s25], [sflag:$0x3], $0x40, s5, s23, $0xb8;
	[tilespmem:$0x15C80] =	vst v63  }
0x9f: {  	_ =	swait.ge [sflag:s29], $0x2000  }
0xa0: {  	[sflag:s29] =	ssyncset.done $0x0  }
0xa1: {  	[sflag:s29] =	ssyncadd.s32 $0xFFFFE000  }
0xa2: {  	_ =	swait.ge [sflag:s30], $0x800  }
0xa3: {  	[sflag:s30] =	ssyncset.done $0x0  }
0xa4: {  	[sflag:s30] =	ssyncadd.s32 $0xFFFFF800  }
0xa5: {  	_ =	swait.ge [sflag:s31], $0x2000  }
0xa6: {  	[sflag:s31] =	ssyncset.done $0x0  }
0xa7: {  	[sflag:s31] =	ssyncadd.s32 $0xFFFFE000  }
0xa8: {  	[spmem:s4] =	stream.indirect.scatter.add.f32 [tilespmem:s22], [sflag:$0x5], $0x10, s24, s23, $0xb8;
	[tilespmem:$0x15C80] =	vst v63  }
0xa9: {  	_ = 	snop  }
0xaa: {  	[spmem:s3] =	stream.indirect.scatter.add.f32 [tilespmem:s26], [sflag:$0x4], $0x40, s24, s23, $0xb8;
	[tilespmem:$0x15C80] =	vst v63  }
0xab: {  	_ =	swait.ge [sflag:s0], $0x2000  }
0xac: {  	[sflag:s0] =	ssyncset.done $0x0  }
0xad: {  	[sflag:s0] =	ssyncadd.s32 $0xFFFFE000  }
0xae: {  	_ =	swait.ge [sflag:s30], $0x800  }
0xaf: {  	s7 =	simm.s32 @p1 $0x80;
	[sflag:s30] =	ssyncset.done $0x0  }
0xb0: {  	s9 =	simm.s32 @p1 $0xC500;
	s10 =	simm.s32 @p1 $0xED00;
	[sflag:s30] =	ssyncadd.s32 $0xFFFFF800  }
0xb1: {  	[tilespmem:s10], [sflag:$0x1] =	stream.indirect.gather @p1 [hbm4b:s1+s7], $0x40, s9, s7, $0xb8;
	[tilespmem:$0x15C80] =	vst v63  }
0xb2: {  	s9 =	simm.s32 @p1 $0x1  }
0xb3: {  	_ =	swait.ge @p1 [sflag:s9], $0x2000  }
0xb4: {  	[sflag:s9] =	ssyncset.done @p1 $0x0  }
0xb5: {  	s11 =	simm.s32 @p1 $0x15480;
	[sflag:s9] =	ssyncadd.s32 @p1 $0xFFFFE000;
	s9 =	simm.s32 @p1 $0xEC80  }
0xb6: {  	[spmem:s4] =	stream.indirect.scatter.add.f32 @p1 [tilespmem:s11], [sflag:$0x5], $0x10, s9, s7, $0xb8;
	[tilespmem:$0x15C80] =	vst v63  }
0xb7: {  	_ = 	snop  }
0xb8: {  	[spmem:s3] =	stream.indirect.scatter.add.f32 @p1 [tilespmem:s10], [sflag:$0x3], $0x40, s9, s7, $0xb8;
	[tilespmem:$0x15C80] =	vst v63  }
0xb9: {  	s7 =	simm.s32 @p1 $0x3  }
0xba: {  	_ =	swait.ge @p1 [sflag:s7], $0x2000  }
0xbb: {  	[sflag:s7] =	ssyncset.done @p1 $0x0  }
0xbc: {  	[sflag:s7] =	ssyncadd.s32 @p1 $0xFFFFE000;
	s7 =	simm.s32 @p1 $0x5  }
0xbd: {  	_ =	swait.ge @p1 [sflag:s7], $0x800  }
0xbe: {  	[sflag:s7] =	ssyncset.done @p1 $0x0  }
0xbf: {  	[sflag:s7] =	ssyncadd.s32 @p1 $0xFFFFF800  }
0xc0: {  	[bflag:$0x0] =	sbarrier.arrive $0xFFFF  }
0xc1: {  	[hbm:s17], [sflag:s8] =	dma.local [spmem:s20], $0x13C0  }
0xc2: {  	s2 =	sadd.s32 $0x1, s2;
	_ =	swait.ge [sflag:s21], $0x13C0  }
0xc3: {  	p3 =	sne.s32 s2, s19;
	[sflag:s21] =	ssyncset.done $0x0  }
.Ltmp1:
0xc4: {  	[sflag:s21] =	ssyncadd.s32 $0xFFFFEC40;
	(pc) =	sbr.rel @p3 .LBB2_1-.Ltmp1, $4  }
0xc5: {  	[hbm:s18], [sflag:s8] =	dma.local [spmem:s6], $0x4F0  }
0xc6: {  	_ =	swait.ge [sflag:s21], $0x4F0  }
0xc7: {  	[sflag:s21] =	ssyncset.done $0x0  }
0xc8: {  	[sflag:s21] =	ssyncadd.s32 $0xFFFFFB10  }
0xc9: {  	_ =	sfence.sel $0x180000  }
0xca: {  	[bflag:$0x0] =	sbarrier.arrive $0xFFFF  }
0xcb: {  	_ =	strace $0x90000047  }
0xcc: {  	s0 =	stileid.u32;
	[bflag:$0x2] =	sbarrier.arrive $0xFFFF  }
0xcd: {  	p0 =	sne.s32 s0, $0x0;
	s0 =	rddreg [dreg:$0x4]  }
0xce: {  	s0 =	sadd.s32 @!p0 $0x100000, s0  }
0xcf: {  	[sflag:s0] =	ssyncadd.tile.s32 @!p0 $0x1;
	_ =	shalt  }
.Lfunc_end2:
_tile_overlayer_lowered:
.L_overlay_start_2:
0xd0: {  	(tag) =	ssettag $0x2  }
0xd1: {  	s0 =	rddreg [dreg:$0x0];
	s2 =	stileid.u32  }
0xd2: {  	s1 =	rddreg [dreg:$0x1];
	p0 =	sne.s32 s2, $0x0  }
0xd3: {  	s3 =	rddreg [dreg:$0x2];
	[bflag:$0x3] =	sbarrier.arrive $0xFFFF;
	s2 =	simm.s32 @!p0 $0x1C06  }
0xd4: {  	[timem:s3], [sflag:s2] =	dma.local @!p0 [hbm:s0], s1  }
0xd5: {  	s0 =	simm.s32 @!p0 $0x6  }
0xd6: {  	_ =	swait.ge @!p0 [sflag:s0], s1  }
0xd7: {  	s1 =	ssub.s32 @!p0 $0x0, s1;
	[sflag:s0] =	ssyncset.done @!p0 $0x0  }
0xd8: {  	[sflag:s0] =	ssyncadd.s32 @!p0 s1  }
0xd9: {  	[bflag:$0x3] =	sbarrier.arrive $0xFFFF  }
0xda: {  	_ =	shalt  }

</sc_bundles>
